<compile_context>
chip_gen: v7x
topology: tpu7x:2x2x1
jax: 0.10.2.dev20260603
libtpu: 0.0.44.dev20260713+nightly
codegen_flags: <defaults>
</compile_context>

<pallas_src>
import jax
import jax.numpy as jnp
from jax import lax
from jax.experimental import pallas as pl
from jax.experimental.pallas import tpu as pltpu
from jax.experimental.pallas import tpu_sc as plsc

N = 10000
NP = 10112
E = 320000
D = 128

NC = 2
NS = 16
NW = NC * NS
EPT = E // NW
CHUNK = 128
NFULL = EPT // CHUNK
TAIL = EPT - NFULL * CHUNK
RPT = NP // NS
NZF = RPT // CHUNK
RZ = RPT - NZF * CHUNK


def _sc_body(x_hbm, src_hbm, dst_hbm, psum_hbm, pcnt_hbm,
             acc, src_ring, dst_ring, rows_v, rows_b, src_t, dst_t, rows_t,
             sem, sem2):
  c = lax.axis_index("c")
  s = lax.axis_index("s")
  wid = s * NC + c

  zeros16 = jnp.zeros((16,), jnp.float32)
  ones16 = jnp.ones((16,), jnp.float32)

  def fillz(i, carry):
    for j in range(D // 16):
      rows_v[i, pl.ds(j * 16, 16)] = zeros16
    return carry
  lax.fori_loop(0, CHUNK, fillz, 0)

  base = s * RPT
  for b in range(NZF):
    pltpu.sync_copy(rows_v, acc.at[pl.ds(base + b * CHUNK, CHUNK)])
  pltpu.sync_copy(rows_v.at[pl.ds(0, RZ)], acc.at[pl.ds(base + NZF * CHUNK, RZ)])

  plsc.subcore_barrier()

  ebase = wid * EPT

  def edge_pair(i, carry):
    off0 = ebase + (2 * i) * CHUNK
    off1 = off0 + CHUNK
    pltpu.sync_copy(src_hbm.at[pl.ds(off0, CHUNK)], src_ring.at[0])
    pltpu.sync_copy(dst_hbm.at[pl.ds(off0, CHUNK)], dst_ring.at[0])
    pltpu.sync_copy(src_hbm.at[pl.ds(off1, CHUNK)], src_ring.at[1])
    pltpu.sync_copy(dst_hbm.at[pl.ds(off1, CHUNK)], dst_ring.at[1])
    ga = pltpu.async_copy(x_hbm.at[src_ring.at[0]], rows_v, sem)
    gb = pltpu.async_copy(x_hbm.at[src_ring.at[1]], rows_b, sem2)
    ga.wait()
    pltpu.sync_copy(rows_v, acc.at[dst_ring.at[0]], add=True)
    gb.wait()
    pltpu.sync_copy(rows_b, acc.at[dst_ring.at[1]], add=True)
    return carry
  lax.fori_loop(0, NFULL // 2, edge_pair, 0)

  toff = ebase + NFULL * CHUNK
  pltpu.sync_copy(src_hbm.at[pl.ds(toff, TAIL)], src_t)
  pltpu.sync_copy(dst_hbm.at[pl.ds(toff, TAIL)], dst_t)
  pltpu.async_copy(x_hbm.at[src_t], rows_t, sem).wait()
  pltpu.sync_copy(rows_t, acc.at[dst_t], add=True)

  plsc.subcore_barrier()

  hb = c * NP + base
  for b in range(NZF):
    pltpu.sync_copy(acc.at[pl.ds(base + b * CHUNK, CHUNK)], rows_v)
    pltpu.sync_copy(rows_v, psum_hbm.at[pl.ds(hb + b * CHUNK, CHUNK)])
  pltpu.sync_copy(acc.at[pl.ds(base + NZF * CHUNK, RZ)], rows_v.at[pl.ds(0, RZ)])
  pltpu.sync_copy(rows_v.at[pl.ds(0, RZ)], psum_hbm.at[pl.ds(hb + NZF * CHUNK, RZ)])

  lax.fori_loop(0, CHUNK, fillz, 0)
  for b in range(NZF):
    pltpu.sync_copy(rows_v, acc.at[pl.ds(base + b * CHUNK, CHUNK)])
  pltpu.sync_copy(rows_v.at[pl.ds(0, RZ)], acc.at[pl.ds(base + NZF * CHUNK, RZ)])

  plsc.subcore_barrier()

  def fillo(i, carry):
    for j in range(D // 16):
      rows_v[i, pl.ds(j * 16, 16)] = ones16
      rows_b[i, pl.ds(j * 16, 16)] = ones16
    return carry
  lax.fori_loop(0, CHUNK, fillo, 0)

  def cnt_pair(i, carry):
    off0 = ebase + (2 * i) * CHUNK
    off1 = off0 + CHUNK
    pltpu.sync_copy(dst_hbm.at[pl.ds(off0, CHUNK)], dst_ring.at[0])
    pltpu.sync_copy(dst_hbm.at[pl.ds(off1, CHUNK)], dst_ring.at[1])
    s0 = pltpu.async_copy(rows_v, acc.at[dst_ring.at[0]], sem, add=True)
    s1 = pltpu.async_copy(rows_b, acc.at[dst_ring.at[1]], sem2, add=True)
    s0.wait()
    s1.wait()
    return carry
  lax.fori_loop(0, NFULL // 2, cnt_pair, 0)

  pltpu.sync_copy(dst_hbm.at[pl.ds(toff, TAIL)], dst_t)
  pltpu.sync_copy(rows_v.at[pl.ds(0, TAIL)], acc.at[dst_t], add=True)

  plsc.subcore_barrier()

  for b in range(NZF):
    pltpu.sync_copy(acc.at[pl.ds(base + b * CHUNK, CHUNK)], rows_v)
    pltpu.sync_copy(rows_v, pcnt_hbm.at[pl.ds(hb + b * CHUNK, CHUNK)])
  pltpu.sync_copy(acc.at[pl.ds(base + NZF * CHUNK, RZ)], rows_v.at[pl.ds(0, RZ)])
  pltpu.sync_copy(rows_v.at[pl.ds(0, RZ)], pcnt_hbm.at[pl.ds(hb + NZF * CHUNK, RZ)])


@jax.jit
def _sc_aggregate(x, src, dst):
  mesh = plsc.VectorSubcoreMesh(core_axis_name="c", subcore_axis_name="s")
  return pl.kernel(
      _sc_body,
      mesh=mesh,
      out_type=(
          jax.ShapeDtypeStruct((NC * NP, D), jnp.float32),
          jax.ShapeDtypeStruct((NC * NP, D), jnp.float32),
      ),
      scratch_types=[
          pltpu.VMEM_SHARED((NP, D), jnp.float32),
          pltpu.VMEM((2, CHUNK), jnp.int32),
          pltpu.VMEM((2, CHUNK), jnp.int32),
          pltpu.VMEM((CHUNK, D), jnp.float32),
          pltpu.VMEM((CHUNK, D), jnp.float32),
          pltpu.VMEM((TAIL,), jnp.int32),
          pltpu.VMEM((TAIL,), jnp.int32),
          pltpu.VMEM((TAIL, D), jnp.float32),
          pltpu.SemaphoreType.DMA,
          pltpu.SemaphoreType.DMA,
      ],
  )(x, src, dst)


def _combine_body(ps_ref, pc_ref, out_ref):
  ssum = ps_ref[0:N, :] + ps_ref[NP:NP + N, :]
  cn = pc_ref[0:N, 0:1] + pc_ref[NP:NP + N, 0:1]
  out_ref[...] = ssum / jnp.maximum(cn, 1.0)


@jax.jit
def _tc_combine(psum, pcnt):
  return pl.pallas_call(
      _combine_body,
      out_shape=jax.ShapeDtypeStruct((N, D), jnp.float32),
  )(psum, pcnt)


def kernel(x, edge_index):
  src = edge_index[0].astype(jnp.int32)
  dst = edge_index[1].astype(jnp.int32)
  psum, pcnt = _sc_aggregate(x, src, dst)
  return _tc_combine(psum, pcnt)

# --- scband reference (transcript-rebuilt; emitter-appended) ---
"""Pipeline reference for scband-mpconv-layer-relu-82188494176500 (READ-ONLY COPY).

The authoritative reference and input builder live on the scoring server;
editing this copy changes nothing except your own understanding.
"""

import jax, jax.numpy as jnp
import numpy as np

N_NODES = 10000
N_EDGES = 320000
D_FEAT = 128


def setup_inputs(seed: int = 0) -> dict:
    key = jax.random.key(seed)
    k1, k2 = jax.random.split(key)
    x = jax.random.normal(k1, (N_NODES, D_FEAT), dtype=jnp.float32)
    edge_index = jax.random.randint(k2, (2, N_EDGES), 0, N_NODES).astype(jnp.int64)
    return {"x": x, "edge_index": edge_index}


def reference(x, edge_index):
    # Spektral MessagePassing with aggregate='mean':
    # message_j = x[src_j]; out_i = mean over incoming edges at node i.
    # (The layer's call() returns only the conv output; norm/act/drop are unused.)
    src = edge_index[0]
    dst = edge_index[1]
    msg = jnp.take(x, src, axis=0)                               # gather: [E, D]
    summed = jax.ops.segment_sum(msg, dst, num_segments=N_NODES)  # scatter-add: [N, D]
    counts = jax.ops.segment_sum(jnp.ones((msg.shape[0],), dtype=x.dtype), dst,
                                 num_segments=N_NODES)            # in-degree per node
    out = summed / jnp.maximum(counts, 1.0)[:, None]              # mean aggregation
    return out

if __name__ == "__main__":
    import jax
    _d = setup_inputs()
    print(jax.jit(kernel)(*tuple(_d.values())))

</pallas_src>

<mosaic_0001>
#map = affine_map<(d0, d1) -> (0, 0)>
#map1 = affine_map<(d0, d1) -> (0)>
module attributes {stable_mosaic.version = 14 : i64} {
  func.func @_sc_body(%arg0: i32, %arg1: i32, %arg2: memref<10000x128xf32, #tpu.memory_space<hbm>>, %arg3: memref<320000xi32, #tpu.memory_space<hbm>>, %arg4: memref<320000xi32, #tpu.memory_space<hbm>>, %arg5: memref<20224x128xf32, #tpu.memory_space<hbm>>, %arg6: memref<20224x128xf32, #tpu.memory_space<hbm>>, %arg7: memref<10112x128xf32, #tpu.memory_space<vmem_shared>>, %arg8: memref<2x128xi32, #tpu.memory_space<vmem>>, %arg9: memref<2x128xi32, #tpu.memory_space<vmem>>, %arg10: memref<128x128xf32, #tpu.memory_space<vmem>>, %arg11: memref<128x128xf32, #tpu.memory_space<vmem>>, %arg12: memref<16xi32, #tpu.memory_space<vmem>>, %arg13: memref<16xi32, #tpu.memory_space<vmem>>, %arg14: memref<16x128xf32, #tpu.memory_space<vmem>>, %arg15: memref<!tpu.dma_semaphore, #tpu.memory_space<semaphore_mem>>, %arg16: memref<!tpu.dma_semaphore, #tpu.memory_space<semaphore_mem>>) attributes {dimension_semantics = [#tpu.dimension_semantics<core_parallel>, #tpu.dimension_semantics<subcore_parallel>], iteration_bounds = array<i64: 2, 16>, scalar_prefetch = 0 : i64, scratch_operands = 10 : i64, tpu.core_type = #tpu.core_type<sc_vector_subcore>, window_params = [{transform_indices = #map}, {transform_indices = #map1}, {transform_indices = #map1}, {transform_indices = #map}, {transform_indices = #map}]} {
    %mul3A = arith.constant 2 : i32
    %mul3A_0 = arith.muli %arg1, %mul3A : i32
    %add3A = arith.addi %mul3A_0, %arg0 : i32
    %broadcast_in_dim3A = arith.constant 0.000000e+00 : f32
    %broadcast_in_dim3A_1 = vector.broadcast %broadcast_in_dim3A : f32 to vector<16xf32>
    %broadcast_in_dim3A_2 = arith.constant 1.000000e+00 : f32
    %broadcast_in_dim3A_3 = vector.broadcast %broadcast_in_dim3A_2 : f32 to vector<16xf32>
    %scan3A = arith.constant 0 : i32
    %scan3A_4 = arith.constant 0 : i32
    %scan3A_5 = arith.constant 128 : i32
    %scan3A_6 = arith.addi %scan3A_4, %scan3A_5 : i32
    %scan3A_7 = arith.constant 1 : i32
    scf.for %scan3A_109 = %scan3A_4 to %scan3A_6 step %scan3A_7  : i32 {
      %swap3A = arith.index_cast %scan3A_109 : i32 to index
      %swap3A_110 = arith.constant 0 : index
      %swap3A_111 = tpu.vector_load %arg10[%swap3A, %swap3A_110] {strides = array<i32>} : memref<128x128xf32, #tpu.memory_space<vmem>>, vector<1x16xf32>,
      %swap3A_112 = vector.shape_cast %swap3A_111 : vector<1x16xf32> to vector<16xf32>
      %swap3A_113 = vector.shape_cast %broadcast_in_dim3A_1 : vector<16xf32> to vector<1x16xf32>
      tpu.vector_store %arg10[%swap3A, %swap3A_110], %swap3A_113 {strides = array<i32>} : memref<128x128xf32, #tpu.memory_space<vmem>>, vector<1x16xf32>,
      %swap3A_114 = arith.index_cast %scan3A_109 : i32 to index
      %swap3A_115 = arith.constant 16 : index
      %swap3A_116 = tpu.vector_load %arg10[%swap3A_114, %swap3A_115] {strides = array<i32>} : memref<128x128xf32, #tpu.memory_space<vmem>>, vector<1x16xf32>,
      %swap3A_117 = vector.shape_cast %swap3A_116 : vector<1x16xf32> to vector<16xf32>
      %swap3A_118 = vector.shape_cast %broadcast_in_dim3A_1 : vector<16xf32> to vector<1x16xf32>
      tpu.vector_store %arg10[%swap3A_114, %swap3A_115], %swap3A_118 {strides = array<i32>} : memref<128x128xf32, #tpu.memory_space<vmem>>, vector<1x16xf32>,
      %swap3A_119 = arith.index_cast %scan3A_109 : i32 to index
      %swap3A_120 = arith.constant 32 : index
      %swap3A_121 = tpu.vector_load %arg10[%swap3A_119, %swap3A_120] {strides = array<i32>} : memref<128x128xf32, #tpu.memory_space<vmem>>, vector<1x16xf32>,
      %swap3A_122 = vector.shape_cast %swap3A_121 : vector<1x16xf32> to vector<16xf32>
      %swap3A_123 = vector.shape_cast %broadcast_in_dim3A_1 : vector<16xf32> to vector<1x16xf32>
      tpu.vector_store %arg10[%swap3A_119, %swap3A_120], %swap3A_123 {strides = array<i32>} : memref<128x128xf32, #tpu.memory_space<vmem>>, vector<1x16xf32>,
      %swap3A_124 = arith.index_cast %scan3A_109 : i32 to index
      %swap3A_125 = arith.constant 48 : index
      %swap3A_126 = tpu.vector_load %arg10[%swap3A_124, %swap3A_125] {strides = array<i32>} : memref<128x128xf32, #tpu.memory_space<vmem>>, vector<1x16xf32>,
      %swap3A_127 = vector.shape_cast %swap3A_126 : vector<1x16xf32> to vector<16xf32>
      %swap3A_128 = vector.shape_cast %broadcast_in_dim3A_1 : vector<16xf32> to vector<1x16xf32>
      tpu.vector_store %arg10[%swap3A_124, %swap3A_125], %swap3A_128 {strides = array<i32>} : memref<128x128xf32, #tpu.memory_space<vmem>>, vector<1x16xf32>,
      %swap3A_129 = arith.index_cast %scan3A_109 : i32 to index
      %swap3A_130 = arith.constant 64 : index
      %swap3A_131 = tpu.vector_load %arg10[%swap3A_129, %swap3A_130] {strides = array<i32>} : memref<128x128xf32, #tpu.memory_space<vmem>>, vector<1x16xf32>,
      %swap3A_132 = vector.shape_cast %swap3A_131 : vector<1x16xf32> to vector<16xf32>
      %swap3A_133 = vector.shape_cast %broadcast_in_dim3A_1 : vector<16xf32> to vector<1x16xf32>
      tpu.vector_store %arg10[%swap3A_129, %swap3A_130], %swap3A_133 {strides = array<i32>} : memref<128x128xf32, #tpu.memory_space<vmem>>, vector<1x16xf32>,
      %swap3A_134 = arith.index_cast %scan3A_109 : i32 to index
      %swap3A_135 = arith.constant 80 : index
      %swap3A_136 = tpu.vector_load %arg10[%swap3A_134, %swap3A_135] {strides = array<i32>} : memref<128x128xf32, #tpu.memory_space<vmem>>, vector<1x16xf32>,
      %swap3A_137 = vector.shape_cast %swap3A_136 : vector<1x16xf32> to vector<16xf32>
      %swap3A_138 = vector.shape_cast %broadcast_in_dim3A_1 : vector<16xf32> to vector<1x16xf32>
      tpu.vector_store %arg10[%swap3A_134, %swap3A_135], %swap3A_138 {strides = array<i32>} : memref<128x128xf32, #tpu.memory_space<vmem>>, vector<1x16xf32>,
      %swap3A_139 = arith.index_cast %scan3A_109 : i32 to index
      %swap3A_140 = arith.constant 96 : index
      %swap3A_141 = tpu.vector_load %arg10[%swap3A_139, %swap3A_140] {strides = array<i32>} : memref<128x128xf32, #tpu.memory_space<vmem>>, vector<1x16xf32>,
      %swap3A_142 = vector.shape_cast %swap3A_141 : vector<1x16xf32> to vector<16xf32>
      %swap3A_143 = vector.shape_cast %broadcast_in_dim3A_1 : vector<16xf32> to vector<1x16xf32>
      tpu.vector_store %arg10[%swap3A_139, %swap3A_140], %swap3A_143 {strides = array<i32>} : memref<128x128xf32, #tpu.memory_space<vmem>>, vector<1x16xf32>,
      %swap3A_144 = arith.index_cast %scan3A_109 : i32 to index
      %swap3A_145 = arith.constant 112 : index
      %swap3A_146 = tpu.vector_load %arg10[%swap3A_144, %swap3A_145] {strides = array<i32>} : memref<128x128xf32, #tpu.memory_space<vmem>>, vector<1x16xf32>,
      %swap3A_147 = vector.shape_cast %swap3A_146 : vector<1x16xf32> to vector<16xf32>
      %swap3A_148 = vector.shape_cast %broadcast_in_dim3A_1 : vector<16xf32> to vector<1x16xf32>
      tpu.vector_store %arg10[%swap3A_144, %swap3A_145], %swap3A_148 {strides = array<i32>} : memref<128x128xf32, #tpu.memory_space<vmem>>, vector<1x16xf32>,
    }
    %scan3A_8 = arith.constant 128 : i32
    %mul3A_9 = arith.constant 632 : i32
    %mul3A_10 = arith.muli %arg1, %mul3A_9 : i32
    %add3A_11 = arith.constant 0 : i32
    %add3A_12 = arith.addi %mul3A_10, %add3A_11 : i32
    "tpu.region"() ({
      %run_scoped3A = tpu.sem_alloc : memref<!tpu.dma_semaphore, #tpu.memory_space<semaphore_mem>>
      %dma_start3A_109 = arith.constant 0 : i32
      %dma_start3A_110 = tpu.memref_slice %arg7[%add3A_12, %dma_start3A_109] : memref<10112x128xf32, #tpu.memory_space<vmem_shared>> -> memref<128x128xf32, #tpu.memory_space<vmem_shared>>
      %dma_start3A_111 = arith.constant 0 : i32
      %dma_start3A_112 = tpu.memref_slice %arg7[%add3A_12, %dma_start3A_111] : memref<10112x128xf32, #tpu.memory_space<vmem_shared>> -> memref<128x128xf32, #tpu.memory_space<vmem_shared>>
      tpu.enqueue_dma source(%arg10 : memref<128x128xf32, #tpu.memory_space<vmem>>) target(%dma_start3A_112 : memref<128x128xf32, #tpu.memory_space<vmem_shared>>) target_semaphore(%run_scoped3A : memref<!tpu.dma_semaphore, #tpu.memory_space<semaphore_mem>>)
      %dma_wait3A_113 = arith.constant 0 : i32
      %dma_wait3A_114 = tpu.memref_slice %arg7[%add3A_12, %dma_wait3A_113] : memref<10112x128xf32, #tpu.memory_space<vmem_shared>> -> memref<128x128xf32, #tpu.memory_space<vmem_shared>>
      %dma_wait3A_115 = arith.constant 0 : i32
      %dma_wait3A_116 = tpu.memref_slice %arg7[%add3A_12, %dma_wait3A_115] : memref<10112x128xf32, #tpu.memory_space<vmem_shared>> -> memref<128x128xf32, #tpu.memory_space<vmem_shared>>
      tpu.wait_dma2 semaphore(%run_scoped3A : memref<!tpu.dma_semaphore, #tpu.memory_space<semaphore_mem>>) src(%arg10 : memref<128x128xf32, #tpu.memory_space<vmem>>) dst(%dma_wait3A_116 : memref<128x128xf32, #tpu.memory_space<vmem_shared>>)
      tpu.yield
    }) : () -> ()
    %add3A_13 = arith.constant 128 : i32
    %add3A_14 = arith.addi %mul3A_10, %add3A_13 : i32
    "tpu.region"() ({
      %run_scoped3A = tpu.sem_alloc : memref<!tpu.dma_semaphore, #tpu.memory_space<semaphore_mem>>
      %dma_start3A_109 = arith.constant 0 : i32
      %dma_start3A_110 = tpu.memref_slice %arg7[%add3A_14, %dma_start3A_109] : memref<10112x128xf32, #tpu.memory_space<vmem_shared>> -> memref<128x128xf32, #tpu.memory_space<vmem_shared>>
      %dma_start3A_111 = arith.constant 0 : i32
      %dma_start3A_112 = tpu.memref_slice %arg7[%add3A_14, %dma_start3A_111] : memref<10112x128xf32, #tpu.memory_space<vmem_shared>> -> memref<128x128xf32, #tpu.memory_space<vmem_shared>>
      tpu.enqueue_dma source(%arg10 : memref<128x128xf32, #tpu.memory_space<vmem>>) target(%dma_start3A_112 : memref<128x128xf32, #tpu.memory_space<vmem_shared>>) target_semaphore(%run_scoped3A : memref<!tpu.dma_semaphore, #tpu.memory_space<semaphore_mem>>)
      %dma_wait3A_113 = arith.constant 0 : i32
      %dma_wait3A_114 = tpu.memref_slice %arg7[%add3A_14, %dma_wait3A_113] : memref<10112x128xf32, #tpu.memory_space<vmem_shared>> -> memref<128x128xf32, #tpu.memory_space<vmem_shared>>
      %dma_wait3A_115 = arith.constant 0 : i32
      %dma_wait3A_116 = tpu.memref_slice %arg7[%add3A_14, %dma_wait3A_115] : memref<10112x128xf32, #tpu.memory_space<vmem_shared>> -> memref<128x128xf32, #tpu.memory_space<vmem_shared>>
      tpu.wait_dma2 semaphore(%run_scoped3A : memref<!tpu.dma_semaphore, #tpu.memory_space<semaphore_mem>>) src(%arg10 : memref<128x128xf32, #tpu.memory_space<vmem>>) dst(%dma_wait3A_116 : memref<128x128xf32, #tpu.memory_space<vmem_shared>>)
      tpu.yield
    }) : () -> ()
    %add3A_15 = arith.constant 256 : i32
    %add3A_16 = arith.addi %mul3A_10, %add3A_15 : i32
    "tpu.region"() ({
      %run_scoped3A = tpu.sem_alloc : memref<!tpu.dma_semaphore, #tpu.memory_space<semaphore_mem>>
      %dma_start3A_109 = arith.constant 0 : i32
      %dma_start3A_110 = tpu.memref_slice %arg7[%add3A_16, %dma_start3A_109] : memref<10112x128xf32, #tpu.memory_space<vmem_shared>> -> memref<128x128xf32, #tpu.memory_space<vmem_shared>>
      %dma_start3A_111 = arith.constant 0 : i32
      %dma_start3A_112 = tpu.memref_slice %arg7[%add3A_16, %dma_start3A_111] : memref<10112x128xf32, #tpu.memory_space<vmem_shared>> -> memref<128x128xf32, #tpu.memory_space<vmem_shared>>
      tpu.enqueue_dma source(%arg10 : memref<128x128xf32, #tpu.memory_space<vmem>>) target(%dma_start3A_112 : memref<128x128xf32, #tpu.memory_space<vmem_shared>>) target_semaphore(%run_scoped3A : memref<!tpu.dma_semaphore, #tpu.memory_space<semaphore_mem>>)
      %dma_wait3A_113 = arith.constant 0 : i32
      %dma_wait3A_114 = tpu.memref_slice %arg7[%add3A_16, %dma_wait3A_113] : memref<10112x128xf32, #tpu.memory_space<vmem_shared>> -> memref<128x128xf32, #tpu.memory_space<vmem_shared>>
      %dma_wait3A_115 = arith.constant 0 : i32
      %dma_wait3A_116 = tpu.memref_slice %arg7[%add3A_16, %dma_wait3A_115] : memref<10112x128xf32, #tpu.memory_space<vmem_shared>> -> memref<128x128xf32, #tpu.memory_space<vmem_shared>>
      tpu.wait_dma2 semaphore(%run_scoped3A : memref<!tpu.dma_semaphore, #tpu.memory_space<semaphore_mem>>) src(%arg10 : memref<128x128xf32, #tpu.memory_space<vmem>>) dst(%dma_wait3A_116 : memref<128x128xf32, #tpu.memory_space<vmem_shared>>)
      tpu.yield
    }) : () -> ()
    %add3A_17 = arith.constant 384 : i32
    %add3A_18 = arith.addi %mul3A_10, %add3A_17 : i32
    "tpu.region"() ({
      %run_scoped3A = tpu.sem_alloc : memref<!tpu.dma_semaphore, #tpu.memory_space<semaphore_mem>>
      %dma_start3A_109 = arith.constant 0 : i32
      %dma_start3A_110 = tpu.memref_slice %arg7[%add3A_18, %dma_start3A_109] : memref<10112x128xf32, #tpu.memory_space<vmem_shared>> -> memref<128x128xf32, #tpu.memory_space<vmem_shared>>
      %dma_start3A_111 = arith.constant 0 : i32
      %dma_start3A_112 = tpu.memref_slice %arg7[%add3A_18, %dma_start3A_111] : memref<10112x128xf32, #tpu.memory_space<vmem_shared>> -> memref<128x128xf32, #tpu.memory_space<vmem_shared>>
      tpu.enqueue_dma source(%arg10 : memref<128x128xf32, #tpu.memory_space<vmem>>) target(%dma_start3A_112 : memref<128x128xf32, #tpu.memory_space<vmem_shared>>) target_semaphore(%run_scoped3A : memref<!tpu.dma_semaphore, #tpu.memory_space<semaphore_mem>>)
      %dma_wait3A_113 = arith.constant 0 : i32
      %dma_wait3A_114 = tpu.memref_slice %arg7[%add3A_18, %dma_wait3A_113] : memref<10112x128xf32, #tpu.memory_space<vmem_shared>> -> memref<128x128xf32, #tpu.memory_space<vmem_shared>>
      %dma_wait3A_115 = arith.constant 0 : i32
      %dma_wait3A_116 = tpu.memref_slice %arg7[%add3A_18, %dma_wait3A_115] : memref<10112x128xf32, #tpu.memory_space<vmem_shared>> -> memref<128x128xf32, #tpu.memory_space<vmem_shared>>
      tpu.wait_dma2 semaphore(%run_scoped3A : memref<!tpu.dma_semaphore, #tpu.memory_space<semaphore_mem>>) src(%arg10 : memref<128x128xf32, #tpu.memory_space<vmem>>) dst(%dma_wait3A_116 : memref<128x128xf32, #tpu.memory_space<vmem_shared>>)
      tpu.yield
    }) : () -> ()
    %add3A_19 = arith.constant 512 : i32
    %add3A_20 = arith.addi %mul3A_10, %add3A_19 : i32
    "tpu.region"() ({
      %run_scoped3A = tpu.sem_alloc : memref<!tpu.dma_semaphore, #tpu.memory_space<semaphore_mem>>
      %dma_start3A_109 = arith.constant 0 : i32
      %dma_start3A_110 = arith.constant 0 : i32
      %dma_start3A_111 = tpu.memref_slice %arg10[%dma_start3A_109, %dma_start3A_110] : memref<128x128xf32, #tpu.memory_space<vmem>> -> memref<120x128xf32, #tpu.memory_space<vmem>>
      %dma_start3A_112 = arith.constant 0 : i32
      %dma_start3A_113 = tpu.memref_slice %arg7[%add3A_20, %dma_start3A_112] : memref<10112x128xf32, #tpu.memory_space<vmem_shared>> -> memref<120x128xf32, #tpu.memory_space<vmem_shared>>
      %dma_start3A_114 = arith.constant 0 : i32
      %dma_start3A_115 = tpu.memref_slice %arg7[%add3A_20, %dma_start3A_114] : memref<10112x128xf32, #tpu.memory_space<vmem_shared>> -> memref<120x128xf32, #tpu.memory_space<vmem_shared>>
      %dma_start3A_116 = arith.constant 0 : i32
      %dma_start3A_117 = arith.constant 0 : i32
      %dma_start3A_118 = tpu.memref_slice %arg10[%dma_start3A_116, %dma_start3A_117] : memref<128x128xf32, #tpu.memory_space<vmem>> -> memref<120x128xf32, #tpu.memory_space<vmem>>
      tpu.enqueue_dma source(%dma_start3A_118 : memref<120x128xf32, #tpu.memory_space<vmem>>) target(%dma_start3A_115 : memref<120x128xf32, #tpu.memory_space<vmem_shared>>) target_semaphore(%run_scoped3A : memref<!tpu.dma_semaphore, #tpu.memory_space<semaphore_mem>>)
      %dma_wait3A_119 = arith.constant 0 : i32
      %dma_wait3A_120 = arith.constant 0 : i32
      %dma_wait3A_121 = tpu.memref_slice %arg10[%dma_wait3A_119, %dma_wait3A_120] : memref<128x128xf32, #tpu.memory_space<vmem>> -> memref<120x128xf32, #tpu.memory_space<vmem>>
      %dma_wait3A_122 = arith.constant 0 : i32
      %dma_wait3A_123 = tpu.memref_slice %arg7[%add3A_20, %dma_wait3A_122] : memref<10112x128xf32, #tpu.memory_space<vmem_shared>> -> memref<120x128xf32, #tpu.memory_space<vmem_shared>>
      %dma_wait3A_124 = arith.constant 0 : i32
      %dma_wait3A_125 = tpu.memref_slice %arg7[%add3A_20, %dma_wait3A_124] : memref<10112x128xf32, #tpu.memory_space<vmem_shared>> -> memref<120x128xf32, #tpu.memory_space<vmem_shared>>
      %dma_wait3A_126 = arith.constant 0 : i32
      %dma_wait3A_127 = arith.constant 0 : i32
      %dma_wait3A_128 = tpu.memref_slice %arg10[%dma_wait3A_126, %dma_wait3A_127] : memref<128x128xf32, #tpu.memory_space<vmem>> -> memref<120x128xf32, #tpu.memory_space<vmem>>
      tpu.wait_dma2 semaphore(%run_scoped3A : memref<!tpu.dma_semaphore, #tpu.memory_space<semaphore_mem>>) src(%dma_wait3A_128 : memref<120x128xf32, #tpu.memory_space<vmem>>) dst(%dma_wait3A_125 : memref<120x128xf32, #tpu.memory_space<vmem_shared>>)
      tpu.yield
    }) : () -> ()
    %barrier3A = arith.constant 0 : index
    tpu.barrier barrier_id(%barrier3A)
    %mul3A_21 = arith.constant 10000 : i32
    %mul3A_22 = arith.muli %add3A, %mul3A_21 : i32
    %scan3A_23 = arith.constant 0 : i32
    %scan3A_24 = arith.constant 0 : i32
    %scan3A_25 = arith.constant 39 : i32
    %scan3A_26 = arith.addi %scan3A_24, %scan3A_25 : i32
    %scan3A_27 = arith.constant 1 : i32
    scf.for %scan3A_109 = %scan3A_24 to %scan3A_26 step %scan3A_27  : i32 {
      %mul3A_110 = arith.constant 2 : i32
      %mul3A_111 = arith.muli %mul3A_110, %scan3A_109 : i32
      %mul3A_112 = arith.constant 128 : i32
      %mul3A_113 = arith.muli %mul3A_111, %mul3A_112 : i32
      %add3A_114 = arith.addi %mul3A_22, %mul3A_113 : i32
      %add3A_115 = arith.constant 128 : i32
      %add3A_116 = arith.addi %add3A_114, %add3A_115 : i32
      %run_scoped3A = arith.constant 0 : i32
      "tpu.region"() ({
        %run_scoped3A_150 = tpu.sem_alloc : memref<!tpu.dma_semaphore, #tpu.memory_space<semaphore_mem>>
        %dma_start3A_151 = arith.constant 0 : i32
        %dma_start3A_152 = tpu.memref_slice %arg8[%run_scoped3A, %dma_start3A_151] : memref<2x128xi32, #tpu.memory_space<vmem>> -> memref<1x128xi32, #tpu.memory_space<vmem>>
        %dma_start3A_153 = tpu.memref_squeeze %dma_start3A_152 : memref<1x128xi32, #tpu.memory_space<vmem>> -> memref<128xi32, #tpu.memory_space<vmem>>
        %dma_start3A_154 = tpu.memref_slice %arg3[%add3A_114] : memref<320000xi32, #tpu.memory_space<hbm>> -> memref<128xi32, #tpu.memory_space<hbm>>
        %dma_start3A_155 = arith.constant 0 : i32
        %dma_start3A_156 = tpu.memref_slice %arg8[%run_scoped3A, %dma_start3A_155] : memref<2x128xi32, #tpu.memory_space<vmem>> -> memref<1x128xi32, #tpu.memory_space<vmem>>
        %dma_start3A_157 = tpu.memref_squeeze %dma_start3A_156 : memref<1x128xi32, #tpu.memory_space<vmem>> -> memref<128xi32, #tpu.memory_space<vmem>>
        %dma_start3A_158 = tpu.memref_slice %arg3[%add3A_114] : memref<320000xi32, #tpu.memory_space<hbm>> -> memref<128xi32, #tpu.memory_space<hbm>>
        tpu.enqueue_dma source(%dma_start3A_158 : memref<128xi32, #tpu.memory_space<hbm>>) target(%dma_start3A_157 : memref<128xi32, #tpu.memory_space<vmem>>) target_semaphore(%run_scoped3A_150 : memref<!tpu.dma_semaphore, #tpu.memory_space<semaphore_mem>>)
        %dma_wait3A_159 = arith.constant 0 : i32
        %dma_wait3A_160 = tpu.memref_slice %arg8[%run_scoped3A, %dma_wait3A_159] : memref<2x128xi32, #tpu.memory_space<vmem>> -> memref<1x128xi32, #tpu.memory_space<vmem>>
        %dma_wait3A_161 = tpu.memref_squeeze %dma_wait3A_160 : memref<1x128xi32, #tpu.memory_space<vmem>> -> memref<128xi32, #tpu.memory_space<vmem>>
        %dma_wait3A_162 = tpu.memref_slice %arg3[%add3A_114] : memref<320000xi32, #tpu.memory_space<hbm>> -> memref<128xi32, #tpu.memory_space<hbm>>
        %dma_wait3A_163 = arith.constant 0 : i32
        %dma_wait3A_164 = tpu.memref_slice %arg8[%run_scoped3A, %dma_wait3A_163] : memref<2x128xi32, #tpu.memory_space<vmem>> -> memref<1x128xi32, #tpu.memory_space<vmem>>
        %dma_wait3A_165 = tpu.memref_squeeze %dma_wait3A_164 : memref<1x128xi32, #tpu.memory_space<vmem>> -> memref<128xi32, #tpu.memory_space<vmem>>
        %dma_wait3A_166 = tpu.memref_slice %arg3[%add3A_114] : memref<320000xi32, #tpu.memory_space<hbm>> -> memref<128xi32, #tpu.memory_space<hbm>>
        tpu.wait_dma2 semaphore(%run_scoped3A_150 : memref<!tpu.dma_semaphore, #tpu.memory_space<semaphore_mem>>) src(%dma_wait3A_166 : memref<128xi32, #tpu.memory_space<hbm>>) dst(%dma_wait3A_165 : memref<128xi32, #tpu.memory_space<vmem>>)
        tpu.yield
      }) : () -> ()
      %run_scoped3A_117 = arith.constant 0 : i32
      "tpu.region"() ({
        %run_scoped3A_150 = tpu.sem_alloc : memref<!tpu.dma_semaphore, #tpu.memory_space<semaphore_mem>>
        %dma_start3A_151 = arith.constant 0 : i32
        %dma_start3A_152 = tpu.memref_slice %arg9[%run_scoped3A_117, %dma_start3A_151] : memref<2x128xi32, #tpu.memory_space<vmem>> -> memref<1x128xi32, #tpu.memory_space<vmem>>
        %dma_start3A_153 = tpu.memref_squeeze %dma_start3A_152 : memref<1x128xi32, #tpu.memory_space<vmem>> -> memref<128xi32, #tpu.memory_space<vmem>>
        %dma_start3A_154 = tpu.memref_slice %arg4[%add3A_114] : memref<320000xi32, #tpu.memory_space<hbm>> -> memref<128xi32, #tpu.memory_space<hbm>>
        %dma_start3A_155 = arith.constant 0 : i32
        %dma_start3A_156 = tpu.memref_slice %arg9[%run_scoped3A_117, %dma_start3A_155] : memref<2x128xi32, #tpu.memory_space<vmem>> -> memref<1x128xi32, #tpu.memory_space<vmem>>
        %dma_start3A_157 = tpu.memref_squeeze %dma_start3A_156 : memref<1x128xi32, #tpu.memory_space<vmem>> -> memref<128xi32, #tpu.memory_space<vmem>>
        %dma_start3A_158 = tpu.memref_slice %arg4[%add3A_114] : memref<320000xi32, #tpu.memory_space<hbm>> -> memref<128xi32, #tpu.memory_space<hbm>>
        tpu.enqueue_dma source(%dma_start3A_158 : memref<128xi32, #tpu.memory_space<hbm>>) target(%dma_start3A_157 : memref<128xi32, #tpu.memory_space<vmem>>) target_semaphore(%run_scoped3A_150 : memref<!tpu.dma_semaphore, #tpu.memory_space<semaphore_mem>>)
        %dma_wait3A_159 = arith.constant 0 : i32
        %dma_wait3A_160 = tpu.memref_slice %arg9[%run_scoped3A_117, %dma_wait3A_159] : memref<2x128xi32, #tpu.memory_space<vmem>> -> memref<1x128xi32, #tpu.memory_space<vmem>>
        %dma_wait3A_161 = tpu.memref_squeeze %dma_wait3A_160 : memref<1x128xi32, #tpu.memory_space<vmem>> -> memref<128xi32, #tpu.memory_space<vmem>>
        %dma_wait3A_162 = tpu.memref_slice %arg4[%add3A_114] : memref<320000xi32, #tpu.memory_space<hbm>> -> memref<128xi32, #tpu.memory_space<hbm>>
        %dma_wait3A_163 = arith.constant 0 : i32
        %dma_wait3A_164 = tpu.memref_slice %arg9[%run_scoped3A_117, %dma_wait3A_163] : memref<2x128xi32, #tpu.memory_space<vmem>> -> memref<1x128xi32, #tpu.memory_space<vmem>>
        %dma_wait3A_165 = tpu.memref_squeeze %dma_wait3A_164 : memref<1x128xi32, #tpu.memory_space<vmem>> -> memref<128xi32, #tpu.memory_space<vmem>>
        %dma_wait3A_166 = tpu.memref_slice %arg4[%add3A_114] : memref<320000xi32, #tpu.memory_space<hbm>> -> memref<128xi32, #tpu.memory_space<hbm>>
        tpu.wait_dma2 semaphore(%run_scoped3A_150 : memref<!tpu.dma_semaphore, #tpu.memory_space<semaphore_mem>>) src(%dma_wait3A_166 : memref<128xi32, #tpu.memory_space<hbm>>) dst(%dma_wait3A_165 : memref<128xi32, #tpu.memory_space<vmem>>)
        tpu.yield
      }) : () -> ()
      %run_scoped3A_118 = arith.constant 1 : i32
      "tpu.region"() ({
        %run_scoped3A_150 = tpu.sem_alloc : memref<!tpu.dma_semaphore, #tpu.memory_space<semaphore_mem>>
        %dma_start3A_151 = arith.constant 0 : i32
        %dma_start3A_152 = tpu.memref_slice %arg8[%run_scoped3A_118, %dma_start3A_151] : memref<2x128xi32, #tpu.memory_space<vmem>> -> memref<1x128xi32, #tpu.memory_space<vmem>>
        %dma_start3A_153 = tpu.memref_squeeze %dma_start3A_152 : memref<1x128xi32, #tpu.memory_space<vmem>> -> memref<128xi32, #tpu.memory_space<vmem>>
        %dma_start3A_154 = tpu.memref_slice %arg3[%add3A_116] : memref<320000xi32, #tpu.memory_space<hbm>> -> memref<128xi32, #tpu.memory_space<hbm>>
        %dma_start3A_155 = arith.constant 0 : i32
        %dma_start3A_156 = tpu.memref_slice %arg8[%run_scoped3A_118, %dma_start3A_155] : memref<2x128xi32, #tpu.memory_space<vmem>> -> memref<1x128xi32, #tpu.memory_space<vmem>>
        %dma_start3A_157 = tpu.memref_squeeze %dma_start3A_156 : memref<1x128xi32, #tpu.memory_space<vmem>> -> memref<128xi32, #tpu.memory_space<vmem>>
        %dma_start3A_158 = tpu.memref_slice %arg3[%add3A_116] : memref<320000xi32, #tpu.memory_space<hbm>> -> memref<128xi32, #tpu.memory_space<hbm>>
        tpu.enqueue_dma source(%dma_start3A_158 : memref<128xi32, #tpu.memory_space<hbm>>) target(%dma_start3A_157 : memref<128xi32, #tpu.memory_space<vmem>>) target_semaphore(%run_scoped3A_150 : memref<!tpu.dma_semaphore, #tpu.memory_space<semaphore_mem>>)
        %dma_wait3A_159 = arith.constant 0 : i32
        %dma_wait3A_160 = tpu.memref_slice %arg8[%run_scoped3A_118, %dma_wait3A_159] : memref<2x128xi32, #tpu.memory_space<vmem>> -> memref<1x128xi32, #tpu.memory_space<vmem>>
        %dma_wait3A_161 = tpu.memref_squeeze %dma_wait3A_160 : memref<1x128xi32, #tpu.memory_space<vmem>> -> memref<128xi32, #tpu.memory_space<vmem>>
        %dma_wait3A_162 = tpu.memref_slice %arg3[%add3A_116] : memref<320000xi32, #tpu.memory_space<hbm>> -> memref<128xi32, #tpu.memory_space<hbm>>
        %dma_wait3A_163 = arith.constant 0 : i32
        %dma_wait3A_164 = tpu.memref_slice %arg8[%run_scoped3A_118, %dma_wait3A_163] : memref<2x128xi32, #tpu.memory_space<vmem>> -> memref<1x128xi32, #tpu.memory_space<vmem>>
        %dma_wait3A_165 = tpu.memref_squeeze %dma_wait3A_164 : memref<1x128xi32, #tpu.memory_space<vmem>> -> memref<128xi32, #tpu.memory_space<vmem>>
        %dma_wait3A_166 = tpu.memref_slice %arg3[%add3A_116] : memref<320000xi32, #tpu.memory_space<hbm>> -> memref<128xi32, #tpu.memory_space<hbm>>
        tpu.wait_dma2 semaphore(%run_scoped3A_150 : memref<!tpu.dma_semaphore, #tpu.memory_space<semaphore_mem>>) src(%dma_wait3A_166 : memref<128xi32, #tpu.memory_space<hbm>>) dst(%dma_wait3A_165 : memref<128xi32, #tpu.memory_space<vmem>>)
        tpu.yield
      }) : () -> ()
      %run_scoped3A_119 = arith.constant 1 : i32
      "tpu.region"() ({
        %run_scoped3A_150 = tpu.sem_alloc : memref<!tpu.dma_semaphore, #tpu.memory_space<semaphore_mem>>
        %dma_start3A_151 = arith.constant 0 : i32
        %dma_start3A_152 = tpu.memref_slice %arg9[%run_scoped3A_119, %dma_start3A_151] : memref<2x128xi32, #tpu.memory_space<vmem>> -> memref<1x128xi32, #tpu.memory_space<vmem>>
        %dma_start3A_153 = tpu.memref_squeeze %dma_start3A_152 : memref<1x128xi32, #tpu.memory_space<vmem>> -> memref<128xi32, #tpu.memory_space<vmem>>
        %dma_start3A_154 = tpu.memref_slice %arg4[%add3A_116] : memref<320000xi32, #tpu.memory_space<hbm>> -> memref<128xi32, #tpu.memory_space<hbm>>
        %dma_start3A_155 = arith.constant 0 : i32
        %dma_start3A_156 = tpu.memref_slice %arg9[%run_scoped3A_119, %dma_start3A_155] : memref<2x128xi32, #tpu.memory_space<vmem>> -> memref<1x128xi32, #tpu.memory_space<vmem>>
        %dma_start3A_157 = tpu.memref_squeeze %dma_start3A_156 : memref<1x128xi32, #tpu.memory_space<vmem>> -> memref<128xi32, #tpu.memory_space<vmem>>
        %dma_start3A_158 = tpu.memref_slice %arg4[%add3A_116] : memref<320000xi32, #tpu.memory_space<hbm>> -> memref<128xi32, #tpu.memory_space<hbm>>
        tpu.enqueue_dma source(%dma_start3A_158 : memref<128xi32, #tpu.memory_space<hbm>>) target(%dma_start3A_157 : memref<128xi32, #tpu.memory_space<vmem>>) target_semaphore(%run_scoped3A_150 : memref<!tpu.dma_semaphore, #tpu.memory_space<semaphore_mem>>)
        %dma_wait3A_159 = arith.constant 0 : i32
        %dma_wait3A_160 = tpu.memref_slice %arg9[%run_scoped3A_119, %dma_wait3A_159] : memref<2x128xi32, #tpu.memory_space<vmem>> -> memref<1x128xi32, #tpu.memory_space<vmem>>
        %dma_wait3A_161 = tpu.memref_squeeze %dma_wait3A_160 : memref<1x128xi32, #tpu.memory_space<vmem>> -> memref<128xi32, #tpu.memory_space<vmem>>
        %dma_wait3A_162 = tpu.memref_slice %arg4[%add3A_116] : memref<320000xi32, #tpu.memory_space<hbm>> -> memref<128xi32, #tpu.memory_space<hbm>>
        %dma_wait3A_163 = arith.constant 0 : i32
        %dma_wait3A_164 = tpu.memref_slice %arg9[%run_scoped3A_119, %dma_wait3A_163] : memref<2x128xi32, #tpu.memory_space<vmem>> -> memref<1x128xi32, #tpu.memory_space<vmem>>
        %dma_wait3A_165 = tpu.memref_squeeze %dma_wait3A_164 : memref<1x128xi32, #tpu.memory_space<vmem>> -> memref<128xi32, #tpu.memory_space<vmem>>
        %dma_wait3A_166 = tpu.memref_slice %arg4[%add3A_116] : memref<320000xi32, #tpu.memory_space<hbm>> -> memref<128xi32, #tpu.memory_space<hbm>>
        tpu.wait_dma2 semaphore(%run_scoped3A_150 : memref<!tpu.dma_semaphore, #tpu.memory_space<semaphore_mem>>) src(%dma_wait3A_166 : memref<128xi32, #tpu.memory_space<hbm>>) dst(%dma_wait3A_165 : memref<128xi32, #tpu.memory_space<vmem>>)
        tpu.yield
      }) : () -> ()
      %dma_start3A_120 = arith.constant 0 : i32
      %dma_start3A_121 = arith.constant 0 : i32
      %dma_start3A_122 = tpu.memref_slice %arg8[%dma_start3A_120, %dma_start3A_121] : memref<2x128xi32, #tpu.memory_space<vmem>> -> memref<1x128xi32, #tpu.memory_space<vmem>>
      %dma_start3A_123 = tpu.memref_squeeze %dma_start3A_122 : memref<1x128xi32, #tpu.memory_space<vmem>> -> memref<128xi32, #tpu.memory_space<vmem>>
      %dma_start3A_124 = arith.constant 0 : i32
      %dma_start3A_125 = arith.constant 0 : i32
      %dma_start3A_126 = tpu.memref_slice %arg2[%dma_start3A_124, %dma_start3A_125] : memref<10000x128xf32, #tpu.memory_space<hbm>> -> memref<10000x128xf32, #tpu.memory_space<hbm>>
      tpu.enqueue_indirect_dma source(%dma_start3A_126 : memref<10000x128xf32, #tpu.memory_space<hbm>>) target(%arg10 : memref<128x128xf32, #tpu.memory_space<vmem>>) offsets(%dma_start3A_123 : memref<128xi32, #tpu.memory_space<vmem>>) semaphore(%arg15 : memref<!tpu.dma_semaphore, #tpu.memory_space<semaphore_mem>>)
      %dma_start3A_127 = arith.constant 1 : i32
      %dma_start3A_128 = arith.constant 0 : i32
      %dma_start3A_129 = tpu.memref_slice %arg8[%dma_start3A_127, %dma_start3A_128] : memref<2x128xi32, #tpu.memory_space<vmem>> -> memref<1x128xi32, #tpu.memory_space<vmem>>
      %dma_start3A_130 = tpu.memref_squeeze %dma_start3A_129 : memref<1x128xi32, #tpu.memory_space<vmem>> -> memref<128xi32, #tpu.memory_space<vmem>>
      %dma_start3A_131 = arith.constant 0 : i32
      %dma_start3A_132 = arith.constant 0 : i32
      %dma_start3A_133 = tpu.memref_slice %arg2[%dma_start3A_131, %dma_start3A_132] : memref<10000x128xf32, #tpu.memory_space<hbm>> -> memref<10000x128xf32, #tpu.memory_space<hbm>>
      tpu.enqueue_indirect_dma source(%dma_start3A_133 : memref<10000x128xf32, #tpu.memory_space<hbm>>) target(%arg11 : memref<128x128xf32, #tpu.memory_space<vmem>>) offsets(%dma_start3A_130 : memref<128xi32, #tpu.memory_space<vmem>>) semaphore(%arg16 : memref<!tpu.dma_semaphore, #tpu.memory_space<semaphore_mem>>)
      %dma_wait3A_134 = arith.constant 0 : i32
      %dma_wait3A_135 = arith.constant 0 : i32
      %dma_wait3A_136 = tpu.memref_slice %arg8[%dma_wait3A_134, %dma_wait3A_135] : memref<2x128xi32, #tpu.memory_space<vmem>> -> memref<1x128xi32, #tpu.memory_space<vmem>>
      %dma_wait3A_137 = tpu.memref_squeeze %dma_wait3A_136 : memref<1x128xi32, #tpu.memory_space<vmem>> -> memref<128xi32, #tpu.memory_space<vmem>>
      %dma_wait3A_138 = arith.constant 0 : i32
      %dma_wait3A_139 = arith.constant 0 : i32
      %dma_wait3A_140 = tpu.memref_slice %arg2[%dma_wait3A_138, %dma_wait3A_139] : memref<10000x128xf32, #tpu.memory_space<hbm>> -> memref<10000x128xf32, #tpu.memory_space<hbm>>
      tpu.wait_indirect_dma semaphore(%arg15 : memref<!tpu.dma_semaphore, #tpu.memory_space<semaphore_mem>>) src(%dma_wait3A_140 : memref<10000x128xf32, #tpu.memory_space<hbm>>) dst(%arg10 : memref<128x128xf32, #tpu.memory_space<vmem>>)
      %run_scoped3A_141 = arith.constant 0 : i32
      "tpu.region"() ({
        %run_scoped3A_150 = tpu.sem_alloc : memref<!tpu.dma_semaphore, #tpu.memory_space<semaphore_mem>>
        %dma_start3A_151 = arith.constant 0 : i32
        %dma_start3A_152 = tpu.memref_slice %arg9[%run_scoped3A_141, %dma_start3A_151] : memref<2x128xi32, #tpu.memory_space<vmem>> -> memref<1x128xi32, #tpu.memory_space<vmem>>
        %dma_start3A_153 = tpu.memref_squeeze %dma_start3A_152 : memref<1x128xi32, #tpu.memory_space<vmem>> -> memref<128xi32, #tpu.memory_space<vmem>>
        %dma_start3A_154 = arith.constant 0 : i32
        %dma_start3A_155 = arith.constant 0 : i32
        %dma_start3A_156 = tpu.memref_slice %arg7[%dma_start3A_154, %dma_start3A_155] : memref<10112x128xf32, #tpu.memory_space<vmem_shared>> -> memref<10112x128xf32, #tpu.memory_space<vmem_shared>>
        tpu.enqueue_indirect_dma source(%arg10 : memref<128x128xf32, #tpu.memory_space<vmem>>) target(%dma_start3A_156 : memref<10112x128xf32, #tpu.memory_space<vmem_shared>>) offsets(%dma_start3A_153 : memref<128xi32, #tpu.memory_space<vmem>>) semaphore(%run_scoped3A_150 : memref<!tpu.dma_semaphore, #tpu.memory_space<semaphore_mem>>) {add = true}
        %dma_wait3A_157 = arith.constant 0 : i32
        %dma_wait3A_158 = tpu.memref_slice %arg9[%run_scoped3A_141, %dma_wait3A_157] : memref<2x128xi32, #tpu.memory_space<vmem>> -> memref<1x128xi32, #tpu.memory_space<vmem>>
        %dma_wait3A_159 = tpu.memref_squeeze %dma_wait3A_158 : memref<1x128xi32, #tpu.memory_space<vmem>> -> memref<128xi32, #tpu.memory_space<vmem>>
        %dma_wait3A_160 = arith.constant 0 : i32
        %dma_wait3A_161 = arith.constant 0 : i32
        %dma_wait3A_162 = tpu.memref_slice %arg7[%dma_wait3A_160, %dma_wait3A_161] : memref<10112x128xf32, #tpu.memory_space<vmem_shared>> -> memref<10112x128xf32, #tpu.memory_space<vmem_shared>>
        tpu.wait_indirect_dma semaphore(%run_scoped3A_150 : memref<!tpu.dma_semaphore, #tpu.memory_space<semaphore_mem>>) src(%arg10 : memref<128x128xf32, #tpu.memory_space<vmem>>) dst(%dma_wait3A_162 : memref<10112x128xf32, #tpu.memory_space<vmem_shared>>)
        tpu.yield
      }) : () -> ()
      %dma_wait3A_142 = arith.constant 1 : i32
      %dma_wait3A_143 = arith.constant 0 : i32
      %dma_wait3A_144 = tpu.memref_slice %arg8[%dma_wait3A_142, %dma_wait3A_143] : memref<2x128xi32, #tpu.memory_space<vmem>> -> memref<1x128xi32, #tpu.memory_space<vmem>>
      %dma_wait3A_145 = tpu.memref_squeeze %dma_wait3A_144 : memref<1x128xi32, #tpu.memory_space<vmem>> -> memref<128xi32, #tpu.memory_space<vmem>>
      %dma_wait3A_146 = arith.constant 0 : i32
      %dma_wait3A_147 = arith.constant 0 : i32
      %dma_wait3A_148 = tpu.memref_slice %arg2[%dma_wait3A_146, %dma_wait3A_147] : memref<10000x128xf32, #tpu.memory_space<hbm>> -> memref<10000x128xf32, #tpu.memory_space<hbm>>
      tpu.wait_indirect_dma semaphore(%arg16 : memref<!tpu.dma_semaphore, #tpu.memory_space<semaphore_mem>>) src(%dma_wait3A_148 : memref<10000x128xf32, #tpu.memory_space<hbm>>) dst(%arg11 : memref<128x128xf32, #tpu.memory_space<vmem>>)
      %run_scoped3A_149 = arith.constant 1 : i32
      "tpu.region"() ({
        %run_scoped3A_150 = tpu.sem_alloc : memref<!tpu.dma_semaphore, #tpu.memory_space<semaphore_mem>>
        %dma_start3A_151 = arith.constant 0 : i32
        %dma_start3A_152 = tpu.memref_slice %arg9[%run_scoped3A_149, %dma_start3A_151] : memref<2x128xi32, #tpu.memory_space<vmem>> -> memref<1x128xi32, #tpu.memory_space<vmem>>
        %dma_start3A_153 = tpu.memref_squeeze %dma_start3A_152 : memref<1x128xi32, #tpu.memory_space<vmem>> -> memref<128xi32, #tpu.memory_space<vmem>>
        %dma_start3A_154 = arith.constant 0 : i32
        %dma_start3A_155 = arith.constant 0 : i32
        %dma_start3A_156 = tpu.memref_slice %arg7[%dma_start3A_154, %dma_start3A_155] : memref<10112x128xf32, #tpu.memory_space<vmem_shared>> -> memref<10112x128xf32, #tpu.memory_space<vmem_shared>>
        tpu.enqueue_indirect_dma source(%arg11 : memref<128x128xf32, #tpu.memory_space<vmem>>) target(%dma_start3A_156 : memref<10112x128xf32, #tpu.memory_space<vmem_shared>>) offsets(%dma_start3A_153 : memref<128xi32, #tpu.memory_space<vmem>>) semaphore(%run_scoped3A_150 : memref<!tpu.dma_semaphore, #tpu.memory_space<semaphore_mem>>) {add = true}
        %dma_wait3A_157 = arith.constant 0 : i32
        %dma_wait3A_158 = tpu.memref_slice %arg9[%run_scoped3A_149, %dma_wait3A_157] : memref<2x128xi32, #tpu.memory_space<vmem>> -> memref<1x128xi32, #tpu.memory_space<vmem>>
        %dma_wait3A_159 = tpu.memref_squeeze %dma_wait3A_158 : memref<1x128xi32, #tpu.memory_space<vmem>> -> memref<128xi32, #tpu.memory_space<vmem>>
        %dma_wait3A_160 = arith.constant 0 : i32
        %dma_wait3A_161 = arith.constant 0 : i32
        %dma_wait3A_162 = tpu.memref_slice %arg7[%dma_wait3A_160, %dma_wait3A_161] : memref<10112x128xf32, #tpu.memory_space<vmem_shared>> -> memref<10112x128xf32, #tpu.memory_space<vmem_shared>>
        tpu.wait_indirect_dma semaphore(%run_scoped3A_150 : memref<!tpu.dma_semaphore, #tpu.memory_space<semaphore_mem>>) src(%arg11 : memref<128x128xf32, #tpu.memory_space<vmem>>) dst(%dma_wait3A_162 : memref<10112x128xf32, #tpu.memory_space<vmem_shared>>)
        tpu.yield
      }) : () -> ()
    }
    %scan3A_28 = arith.constant 39 : i32
    %add3A_29 = arith.constant 9984 : i32
    %add3A_30 = arith.addi %mul3A_22, %add3A_29 : i32
    "tpu.region"() ({
      %run_scoped3A = tpu.sem_alloc : memref<!tpu.dma_semaphore, #tpu.memory_space<semaphore_mem>>
      %dma_start3A_109 = tpu.memref_slice %arg3[%add3A_30] : memref<320000xi32, #tpu.memory_space<hbm>> -> memref<16xi32, #tpu.memory_space<hbm>>
      %dma_start3A_110 = tpu.memref_slice %arg3[%add3A_30] : memref<320000xi32, #tpu.memory_space<hbm>> -> memref<16xi32, #tpu.memory_space<hbm>>
      tpu.enqueue_dma source(%dma_start3A_110 : memref<16xi32, #tpu.memory_space<hbm>>) target(%arg12 : memref<16xi32, #tpu.memory_space<vmem>>) target_semaphore(%run_scoped3A : memref<!tpu.dma_semaphore, #tpu.memory_space<semaphore_mem>>)
      %dma_wait3A_111 = tpu.memref_slice %arg3[%add3A_30] : memref<320000xi32, #tpu.memory_space<hbm>> -> memref<16xi32, #tpu.memory_space<hbm>>
      %dma_wait3A_112 = tpu.memref_slice %arg3[%add3A_30] : memref<320000xi32, #tpu.memory_space<hbm>> -> memref<16xi32, #tpu.memory_space<hbm>>
      tpu.wait_dma2 semaphore(%run_scoped3A : memref<!tpu.dma_semaphore, #tpu.memory_space<semaphore_mem>>) src(%dma_wait3A_112 : memref<16xi32, #tpu.memory_space<hbm>>) dst(%arg12 : memref<16xi32, #tpu.memory_space<vmem>>)
      tpu.yield
    }) : () -> ()
    "tpu.region"() ({
      %run_scoped3A = tpu.sem_alloc : memref<!tpu.dma_semaphore, #tpu.memory_space<semaphore_mem>>
      %dma_start3A_109 = tpu.memref_slice %arg4[%add3A_30] : memref<320000xi32, #tpu.memory_space<hbm>> -> memref<16xi32, #tpu.memory_space<hbm>>
      %dma_start3A_110 = tpu.memref_slice %arg4[%add3A_30] : memref<320000xi32, #tpu.memory_space<hbm>> -> memref<16xi32, #tpu.memory_space<hbm>>
      tpu.enqueue_dma source(%dma_start3A_110 : memref<16xi32, #tpu.memory_space<hbm>>) target(%arg13 : memref<16xi32, #tpu.memory_space<vmem>>) target_semaphore(%run_scoped3A : memref<!tpu.dma_semaphore, #tpu.memory_space<semaphore_mem>>)
      %dma_wait3A_111 = tpu.memref_slice %arg4[%add3A_30] : memref<320000xi32, #tpu.memory_space<hbm>> -> memref<16xi32, #tpu.memory_space<hbm>>
      %dma_wait3A_112 = tpu.memref_slice %arg4[%add3A_30] : memref<320000xi32, #tpu.memory_space<hbm>> -> memref<16xi32, #tpu.memory_space<hbm>>
      tpu.wait_dma2 semaphore(%run_scoped3A : memref<!tpu.dma_semaphore, #tpu.memory_space<semaphore_mem>>) src(%dma_wait3A_112 : memref<16xi32, #tpu.memory_space<hbm>>) dst(%arg13 : memref<16xi32, #tpu.memory_space<vmem>>)
      tpu.yield
    }) : () -> ()
    %dma_start3A = arith.constant 0 : i32
    %dma_start3A_31 = arith.constant 0 : i32
    %dma_start3A_32 = tpu.memref_slice %arg2[%dma_start3A, %dma_start3A_31] : memref<10000x128xf32, #tpu.memory_space<hbm>> -> memref<10000x128xf32, #tpu.memory_space<hbm>>
    tpu.enqueue_indirect_dma source(%dma_start3A_32 : memref<10000x128xf32, #tpu.memory_space<hbm>>) target(%arg14 : memref<16x128xf32, #tpu.memory_space<vmem>>) offsets(%arg12 : memref<16xi32, #tpu.memory_space<vmem>>) semaphore(%arg15 : memref<!tpu.dma_semaphore, #tpu.memory_space<semaphore_mem>>)
    %dma_wait3A = arith.constant 0 : i32
    %dma_wait3A_33 = arith.constant 0 : i32
    %dma_wait3A_34 = tpu.memref_slice %arg2[%dma_wait3A, %dma_wait3A_33] : memref<10000x128xf32, #tpu.memory_space<hbm>> -> memref<10000x128xf32, #tpu.memory_space<hbm>>
    tpu.wait_indirect_dma semaphore(%arg15 : memref<!tpu.dma_semaphore, #tpu.memory_space<semaphore_mem>>) src(%dma_wait3A_34 : memref<10000x128xf32, #tpu.memory_space<hbm>>) dst(%arg14 : memref<16x128xf32, #tpu.memory_space<vmem>>)
    "tpu.region"() ({
      %run_scoped3A = tpu.sem_alloc : memref<!tpu.dma_semaphore, #tpu.memory_space<semaphore_mem>>
      %dma_start3A_109 = arith.constant 0 : i32
      %dma_start3A_110 = arith.constant 0 : i32
      %dma_start3A_111 = tpu.memref_slice %arg7[%dma_start3A_109, %dma_start3A_110] : memref<10112x128xf32, #tpu.memory_space<vmem_shared>> -> memref<10112x128xf32, #tpu.memory_space<vmem_shared>>
      tpu.enqueue_indirect_dma source(%arg14 : memref<16x128xf32, #tpu.memory_space<vmem>>) target(%dma_start3A_111 : memref<10112x128xf32, #tpu.memory_space<vmem_shared>>) offsets(%arg13 : memref<16xi32, #tpu.memory_space<vmem>>) semaphore(%run_scoped3A : memref<!tpu.dma_semaphore, #tpu.memory_space<semaphore_mem>>) {add = true}
      %dma_wait3A_112 = arith.constant 0 : i32
      %dma_wait3A_113 = arith.constant 0 : i32
      %dma_wait3A_114 = tpu.memref_slice %arg7[%dma_wait3A_112, %dma_wait3A_113] : memref<10112x128xf32, #tpu.memory_space<vmem_shared>> -> memref<10112x128xf32, #tpu.memory_space<vmem_shared>>
      tpu.wait_indirect_dma semaphore(%run_scoped3A : memref<!tpu.dma_semaphore, #tpu.memory_space<semaphore_mem>>) src(%arg14 : memref<16x128xf32, #tpu.memory_space<vmem>>) dst(%dma_wait3A_114 : memref<10112x128xf32, #tpu.memory_space<vmem_shared>>)
      tpu.yield
    }) : () -> ()
    %barrier3A_35 = arith.constant 0 : index
    tpu.barrier barrier_id(%barrier3A_35)
    %mul3A_36 = arith.constant 10112 : i32
    %mul3A_37 = arith.muli %arg0, %mul3A_36 : i32
    %add3A_38 = arith.addi %mul3A_37, %mul3A_10 : i32
    %add3A_39 = arith.constant 0 : i32
    %add3A_40 = arith.addi %mul3A_10, %add3A_39 : i32
    "tpu.region"() ({
      %run_scoped3A = tpu.sem_alloc : memref<!tpu.dma_semaphore, #tpu.memory_space<semaphore_mem>>
      %dma_start3A_109 = arith.constant 0 : i32
      %dma_start3A_110 = tpu.memref_slice %arg7[%add3A_40, %dma_start3A_109] : memref<10112x128xf32, #tpu.memory_space<vmem_shared>> -> memref<128x128xf32, #tpu.memory_space<vmem_shared>>
      %dma_start3A_111 = arith.constant 0 : i32
      %dma_start3A_112 = tpu.memref_slice %arg7[%add3A_40, %dma_start3A_111] : memref<10112x128xf32, #tpu.memory_space<vmem_shared>> -> memref<128x128xf32, #tpu.memory_space<vmem_shared>>
      tpu.enqueue_dma source(%dma_start3A_112 : memref<128x128xf32, #tpu.memory_space<vmem_shared>>) target(%arg10 : memref<128x128xf32, #tpu.memory_space<vmem>>) target_semaphore(%run_scoped3A : memref<!tpu.dma_semaphore, #tpu.memory_space<semaphore_mem>>)
      %dma_wait3A_113 = arith.constant 0 : i32
      %dma_wait3A_114 = tpu.memref_slice %arg7[%add3A_40, %dma_wait3A_113] : memref<10112x128xf32, #tpu.memory_space<vmem_shared>> -> memref<128x128xf32, #tpu.memory_space<vmem_shared>>
      %dma_wait3A_115 = arith.constant 0 : i32
      %dma_wait3A_116 = tpu.memref_slice %arg7[%add3A_40, %dma_wait3A_115] : memref<10112x128xf32, #tpu.memory_space<vmem_shared>> -> memref<128x128xf32, #tpu.memory_space<vmem_shared>>
      tpu.wait_dma2 semaphore(%run_scoped3A : memref<!tpu.dma_semaphore, #tpu.memory_space<semaphore_mem>>) src(%dma_wait3A_116 : memref<128x128xf32, #tpu.memory_space<vmem_shared>>) dst(%arg10 : memref<128x128xf32, #tpu.memory_space<vmem>>)
      tpu.yield
    }) : () -> ()
    %add3A_41 = arith.constant 0 : i32
    %add3A_42 = arith.addi %add3A_38, %add3A_41 : i32
    "tpu.region"() ({
      %run_scoped3A = tpu.sem_alloc : memref<!tpu.dma_semaphore, #tpu.memory_space<semaphore_mem>>
      %dma_start3A_109 = arith.constant 0 : i32
      %dma_start3A_110 = tpu.memref_slice %arg5[%add3A_42, %dma_start3A_109] : memref<20224x128xf32, #tpu.memory_space<hbm>> -> memref<128x128xf32, #tpu.memory_space<hbm>>
      %dma_start3A_111 = arith.constant 0 : i32
      %dma_start3A_112 = tpu.memref_slice %arg5[%add3A_42, %dma_start3A_111] : memref<20224x128xf32, #tpu.memory_space<hbm>> -> memref<128x128xf32, #tpu.memory_space<hbm>>
      tpu.enqueue_dma source(%arg10 : memref<128x128xf32, #tpu.memory_space<vmem>>) target(%dma_start3A_112 : memref<128x128xf32, #tpu.memory_space<hbm>>) target_semaphore(%run_scoped3A : memref<!tpu.dma_semaphore, #tpu.memory_space<semaphore_mem>>)
      %dma_wait3A_113 = arith.constant 0 : i32
      %dma_wait3A_114 = tpu.memref_slice %arg5[%add3A_42, %dma_wait3A_113] : memref<20224x128xf32, #tpu.memory_space<hbm>> -> memref<128x128xf32, #tpu.memory_space<hbm>>
      %dma_wait3A_115 = arith.constant 0 : i32
      %dma_wait3A_116 = tpu.memref_slice %arg5[%add3A_42, %dma_wait3A_115] : memref<20224x128xf32, #tpu.memory_space<hbm>> -> memref<128x128xf32, #tpu.memory_space<hbm>>
      tpu.wait_dma2 semaphore(%run_scoped3A : memref<!tpu.dma_semaphore, #tpu.memory_space<semaphore_mem>>) src(%arg10 : memref<128x128xf32, #tpu.memory_space<vmem>>) dst(%dma_wait3A_116 : memref<128x128xf32, #tpu.memory_space<hbm>>)
      tpu.yield
    }) : () -> ()
    %add3A_43 = arith.constant 128 : i32
    %add3A_44 = arith.addi %mul3A_10, %add3A_43 : i32
    "tpu.region"() ({
      %run_scoped3A = tpu.sem_alloc : memref<!tpu.dma_semaphore, #tpu.memory_space<semaphore_mem>>
      %dma_start3A_109 = arith.constant 0 : i32
      %dma_start3A_110 = tpu.memref_slice %arg7[%add3A_44, %dma_start3A_109] : memref<10112x128xf32, #tpu.memory_space<vmem_shared>> -> memref<128x128xf32, #tpu.memory_space<vmem_shared>>
      %dma_start3A_111 = arith.constant 0 : i32
      %dma_start3A_112 = tpu.memref_slice %arg7[%add3A_44, %dma_start3A_111] : memref<10112x128xf32, #tpu.memory_space<vmem_shared>> -> memref<128x128xf32, #tpu.memory_space<vmem_shared>>
      tpu.enqueue_dma source(%dma_start3A_112 : memref<128x128xf32, #tpu.memory_space<vmem_shared>>) target(%arg10 : memref<128x128xf32, #tpu.memory_space<vmem>>) target_semaphore(%run_scoped3A : memref<!tpu.dma_semaphore, #tpu.memory_space<semaphore_mem>>)
      %dma_wait3A_113 = arith.constant 0 : i32
      %dma_wait3A_114 = tpu.memref_slice %arg7[%add3A_44, %dma_wait3A_113] : memref<10112x128xf32, #tpu.memory_space<vmem_shared>> -> memref<128x128xf32, #tpu.memory_space<vmem_shared>>
      %dma_wait3A_115 = arith.constant 0 : i32
      %dma_wait3A_116 = tpu.memref_slice %arg7[%add3A_44, %dma_wait3A_115] : memref<10112x128xf32, #tpu.memory_space<vmem_shared>> -> memref<128x128xf32, #tpu.memory_space<vmem_shared>>
      tpu.wait_dma2 semaphore(%run_scoped3A : memref<!tpu.dma_semaphore, #tpu.memory_space<semaphore_mem>>) src(%dma_wait3A_116 : memref<128x128xf32, #tpu.memory_space<vmem_shared>>) dst(%arg10 : memref<128x128xf32, #tpu.memory_space<vmem>>)
      tpu.yield
    }) : () -> ()
    %add3A_45 = arith.constant 128 : i32
    %add3A_46 = arith.addi %add3A_38, %add3A_45 : i32
    "tpu.region"() ({
      %run_scoped3A = tpu.sem_alloc : memref<!tpu.dma_semaphore, #tpu.memory_space<semaphore_mem>>
      %dma_start3A_109 = arith.constant 0 : i32
      %dma_start3A_110 = tpu.memref_slice %arg5[%add3A_46, %dma_start3A_109] : memref<20224x128xf32, #tpu.memory_space<hbm>> -> memref<128x128xf32, #tpu.memory_space<hbm>>
      %dma_start3A_111 = arith.constant 0 : i32
      %dma_start3A_112 = tpu.memref_slice %arg5[%add3A_46, %dma_start3A_111] : memref<20224x128xf32, #tpu.memory_space<hbm>> -> memref<128x128xf32, #tpu.memory_space<hbm>>
      tpu.enqueue_dma source(%arg10 : memref<128x128xf32, #tpu.memory_space<vmem>>) target(%dma_start3A_112 : memref<128x128xf32, #tpu.memory_space<hbm>>) target_semaphore(%run_scoped3A : memref<!tpu.dma_semaphore, #tpu.memory_space<semaphore_mem>>)
      %dma_wait3A_113 = arith.constant 0 : i32
      %dma_wait3A_114 = tpu.memref_slice %arg5[%add3A_46, %dma_wait3A_113] : memref<20224x128xf32, #tpu.memory_space<hbm>> -> memref<128x128xf32, #tpu.memory_space<hbm>>
      %dma_wait3A_115 = arith.constant 0 : i32
      %dma_wait3A_116 = tpu.memref_slice %arg5[%add3A_46, %dma_wait3A_115] : memref<20224x128xf32, #tpu.memory_space<hbm>> -> memref<128x128xf32, #tpu.memory_space<hbm>>
      tpu.wait_dma2 semaphore(%run_scoped3A : memref<!tpu.dma_semaphore, #tpu.memory_space<semaphore_mem>>) src(%arg10 : memref<128x128xf32, #tpu.memory_space<vmem>>) dst(%dma_wait3A_116 : memref<128x128xf32, #tpu.memory_space<hbm>>)
      tpu.yield
    }) : () -> ()
    %add3A_47 = arith.constant 256 : i32
    %add3A_48 = arith.addi %mul3A_10, %add3A_47 : i32
    "tpu.region"() ({
      %run_scoped3A = tpu.sem_alloc : memref<!tpu.dma_semaphore, #tpu.memory_space<semaphore_mem>>
      %dma_start3A_109 = arith.constant 0 : i32
      %dma_start3A_110 = tpu.memref_slice %arg7[%add3A_48, %dma_start3A_109] : memref<10112x128xf32, #tpu.memory_space<vmem_shared>> -> memref<128x128xf32, #tpu.memory_space<vmem_shared>>
      %dma_start3A_111 = arith.constant 0 : i32
      %dma_start3A_112 = tpu.memref_slice %arg7[%add3A_48, %dma_start3A_111] : memref<10112x128xf32, #tpu.memory_space<vmem_shared>> -> memref<128x128xf32, #tpu.memory_space<vmem_shared>>
      tpu.enqueue_dma source(%dma_start3A_112 : memref<128x128xf32, #tpu.memory_space<vmem_shared>>) target(%arg10 : memref<128x128xf32, #tpu.memory_space<vmem>>) target_semaphore(%run_scoped3A : memref<!tpu.dma_semaphore, #tpu.memory_space<semaphore_mem>>)
      %dma_wait3A_113 = arith.constant 0 : i32
      %dma_wait3A_114 = tpu.memref_slice %arg7[%add3A_48, %dma_wait3A_113] : memref<10112x128xf32, #tpu.memory_space<vmem_shared>> -> memref<128x128xf32, #tpu.memory_space<vmem_shared>>
      %dma_wait3A_115 = arith.constant 0 : i32
      %dma_wait3A_116 = tpu.memref_slice %arg7[%add3A_48, %dma_wait3A_115] : memref<10112x128xf32, #tpu.memory_space<vmem_shared>> -> memref<128x128xf32, #tpu.memory_space<vmem_shared>>
      tpu.wait_dma2 semaphore(%run_scoped3A : memref<!tpu.dma_semaphore, #tpu.memory_space<semaphore_mem>>) src(%dma_wait3A_116 : memref<128x128xf32, #tpu.memory_space<vmem_shared>>) dst(%arg10 : memref<128x128xf32, #tpu.memory_space<vmem>>)
      tpu.yield
    }) : () -> ()
    %add3A_49 = arith.constant 256 : i32
    %add3A_50 = arith.addi %add3A_38, %add3A_49 : i32
    "tpu.region"() ({
      %run_scoped3A = tpu.sem_alloc : memref<!tpu.dma_semaphore, #tpu.memory_space<semaphore_mem>>
      %dma_start3A_109 = arith.constant 0 : i32
      %dma_start3A_110 = tpu.memref_slice %arg5[%add3A_50, %dma_start3A_109] : memref<20224x128xf32, #tpu.memory_space<hbm>> -> memref<128x128xf32, #tpu.memory_space<hbm>>
      %dma_start3A_111 = arith.constant 0 : i32
      %dma_start3A_112 = tpu.memref_slice %arg5[%add3A_50, %dma_start3A_111] : memref<20224x128xf32, #tpu.memory_space<hbm>> -> memref<128x128xf32, #tpu.memory_space<hbm>>
      tpu.enqueue_dma source(%arg10 : memref<128x128xf32, #tpu.memory_space<vmem>>) target(%dma_start3A_112 : memref<128x128xf32, #tpu.memory_space<hbm>>) target_semaphore(%run_scoped3A : memref<!tpu.dma_semaphore, #tpu.memory_space<semaphore_mem>>)
      %dma_wait3A_113 = arith.constant 0 : i32
      %dma_wait3A_114 = tpu.memref_slice %arg5[%add3A_50, %dma_wait3A_113] : memref<20224x128xf32, #tpu.memory_space<hbm>> -> memref<128x128xf32, #tpu.memory_space<hbm>>
      %dma_wait3A_115 = arith.constant 0 : i32
      %dma_wait3A_116 = tpu.memref_slice %arg5[%add3A_50, %dma_wait3A_115] : memref<20224x128xf32, #tpu.memory_space<hbm>> -> memref<128x128xf32, #tpu.memory_space<hbm>>
      tpu.wait_dma2 semaphore(%run_scoped3A : memref<!tpu.dma_semaphore, #tpu.memory_space<semaphore_mem>>) src(%arg10 : memref<128x128xf32, #tpu.memory_space<vmem>>) dst(%dma_wait3A_116 : memref<128x128xf32, #tpu.memory_space<hbm>>)
      tpu.yield
    }) : () -> ()
    %add3A_51 = arith.constant 384 : i32
    %add3A_52 = arith.addi %mul3A_10, %add3A_51 : i32
    "tpu.region"() ({
      %run_scoped3A = tpu.sem_alloc : memref<!tpu.dma_semaphore, #tpu.memory_space<semaphore_mem>>
      %dma_start3A_109 = arith.constant 0 : i32
      %dma_start3A_110 = tpu.memref_slice %arg7[%add3A_52, %dma_start3A_109] : memref<10112x128xf32, #tpu.memory_space<vmem_shared>> -> memref<128x128xf32, #tpu.memory_space<vmem_shared>>
      %dma_start3A_111 = arith.constant 0 : i32
      %dma_start3A_112 = tpu.memref_slice %arg7[%add3A_52, %dma_start3A_111] : memref<10112x128xf32, #tpu.memory_space<vmem_shared>> -> memref<128x128xf32, #tpu.memory_space<vmem_shared>>
      tpu.enqueue_dma source(%dma_start3A_112 : memref<128x128xf32, #tpu.memory_space<vmem_shared>>) target(%arg10 : memref<128x128xf32, #tpu.memory_space<vmem>>) target_semaphore(%run_scoped3A : memref<!tpu.dma_semaphore, #tpu.memory_space<semaphore_mem>>)
      %dma_wait3A_113 = arith.constant 0 : i32
      %dma_wait3A_114 = tpu.memref_slice %arg7[%add3A_52, %dma_wait3A_113] : memref<10112x128xf32, #tpu.memory_space<vmem_shared>> -> memref<128x128xf32, #tpu.memory_space<vmem_shared>>
      %dma_wait3A_115 = arith.constant 0 : i32
      %dma_wait3A_116 = tpu.memref_slice %arg7[%add3A_52, %dma_wait3A_115] : memref<10112x128xf32, #tpu.memory_space<vmem_shared>> -> memref<128x128xf32, #tpu.memory_space<vmem_shared>>
      tpu.wait_dma2 semaphore(%run_scoped3A : memref<!tpu.dma_semaphore, #tpu.memory_space<semaphore_mem>>) src(%dma_wait3A_116 : memref<128x128xf32, #tpu.memory_space<vmem_shared>>) dst(%arg10 : memref<128x128xf32, #tpu.memory_space<vmem>>)
      tpu.yield
    }) : () -> ()
    %add3A_53 = arith.constant 384 : i32
    %add3A_54 = arith.addi %add3A_38, %add3A_53 : i32
    "tpu.region"() ({
      %run_scoped3A = tpu.sem_alloc : memref<!tpu.dma_semaphore, #tpu.memory_space<semaphore_mem>>
      %dma_start3A_109 = arith.constant 0 : i32
      %dma_start3A_110 = tpu.memref_slice %arg5[%add3A_54, %dma_start3A_109] : memref<20224x128xf32, #tpu.memory_space<hbm>> -> memref<128x128xf32, #tpu.memory_space<hbm>>
      %dma_start3A_111 = arith.constant 0 : i32
      %dma_start3A_112 = tpu.memref_slice %arg5[%add3A_54, %dma_start3A_111] : memref<20224x128xf32, #tpu.memory_space<hbm>> -> memref<128x128xf32, #tpu.memory_space<hbm>>
      tpu.enqueue_dma source(%arg10 : memref<128x128xf32, #tpu.memory_space<vmem>>) target(%dma_start3A_112 : memref<128x128xf32, #tpu.memory_space<hbm>>) target_semaphore(%run_scoped3A : memref<!tpu.dma_semaphore, #tpu.memory_space<semaphore_mem>>)
      %dma_wait3A_113 = arith.constant 0 : i32
      %dma_wait3A_114 = tpu.memref_slice %arg5[%add3A_54, %dma_wait3A_113] : memref<20224x128xf32, #tpu.memory_space<hbm>> -> memref<128x128xf32, #tpu.memory_space<hbm>>
      %dma_wait3A_115 = arith.constant 0 : i32
      %dma_wait3A_116 = tpu.memref_slice %arg5[%add3A_54, %dma_wait3A_115] : memref<20224x128xf32, #tpu.memory_space<hbm>> -> memref<128x128xf32, #tpu.memory_space<hbm>>
      tpu.wait_dma2 semaphore(%run_scoped3A : memref<!tpu.dma_semaphore, #tpu.memory_space<semaphore_mem>>) src(%arg10 : memref<128x128xf32, #tpu.memory_space<vmem>>) dst(%dma_wait3A_116 : memref<128x128xf32, #tpu.memory_space<hbm>>)
      tpu.yield
    }) : () -> ()
    %add3A_55 = arith.constant 512 : i32
    %add3A_56 = arith.addi %mul3A_10, %add3A_55 : i32
    "tpu.region"() ({
      %run_scoped3A = tpu.sem_alloc : memref<!tpu.dma_semaphore, #tpu.memory_space<semaphore_mem>>
      %dma_start3A_109 = arith.constant 0 : i32
      %dma_start3A_110 = arith.constant 0 : i32
      %dma_start3A_111 = tpu.memref_slice %arg10[%dma_start3A_109, %dma_start3A_110] : memref<128x128xf32, #tpu.memory_space<vmem>> -> memref<120x128xf32, #tpu.memory_space<vmem>>
      %dma_start3A_112 = arith.constant 0 : i32
      %dma_start3A_113 = tpu.memref_slice %arg7[%add3A_56, %dma_start3A_112] : memref<10112x128xf32, #tpu.memory_space<vmem_shared>> -> memref<120x128xf32, #tpu.memory_space<vmem_shared>>
      %dma_start3A_114 = arith.constant 0 : i32
      %dma_start3A_115 = arith.constant 0 : i32
      %dma_start3A_116 = tpu.memref_slice %arg10[%dma_start3A_114, %dma_start3A_115] : memref<128x128xf32, #tpu.memory_space<vmem>> -> memref<120x128xf32, #tpu.memory_space<vmem>>
      %dma_start3A_117 = arith.constant 0 : i32
      %dma_start3A_118 = tpu.memref_slice %arg7[%add3A_56, %dma_start3A_117] : memref<10112x128xf32, #tpu.memory_space<vmem_shared>> -> memref<120x128xf32, #tpu.memory_space<vmem_shared>>
      tpu.enqueue_dma source(%dma_start3A_118 : memref<120x128xf32, #tpu.memory_space<vmem_shared>>) target(%dma_start3A_116 : memref<120x128xf32, #tpu.memory_space<vmem>>) target_semaphore(%run_scoped3A : memref<!tpu.dma_semaphore, #tpu.memory_space<semaphore_mem>>)
      %dma_wait3A_119 = arith.constant 0 : i32
      %dma_wait3A_120 = arith.constant 0 : i32
      %dma_wait3A_121 = tpu.memref_slice %arg10[%dma_wait3A_119, %dma_wait3A_120] : memref<128x128xf32, #tpu.memory_space<vmem>> -> memref<120x128xf32, #tpu.memory_space<vmem>>
      %dma_wait3A_122 = arith.constant 0 : i32
      %dma_wait3A_123 = tpu.memref_slice %arg7[%add3A_56, %dma_wait3A_122] : memref<10112x128xf32, #tpu.memory_space<vmem_shared>> -> memref<120x128xf32, #tpu.memory_space<vmem_shared>>
      %dma_wait3A_124 = arith.constant 0 : i32
      %dma_wait3A_125 = arith.constant 0 : i32
      %dma_wait3A_126 = tpu.memref_slice %arg10[%dma_wait3A_124, %dma_wait3A_125] : memref<128x128xf32, #tpu.memory_space<vmem>> -> memref<120x128xf32, #tpu.memory_space<vmem>>
      %dma_wait3A_127 = arith.constant 0 : i32
      %dma_wait3A_128 = tpu.memref_slice %arg7[%add3A_56, %dma_wait3A_127] : memref<10112x128xf32, #tpu.memory_space<vmem_shared>> -> memref<120x128xf32, #tpu.memory_space<vmem_shared>>
      tpu.wait_dma2 semaphore(%run_scoped3A : memref<!tpu.dma_semaphore, #tpu.memory_space<semaphore_mem>>) src(%dma_wait3A_128 : memref<120x128xf32, #tpu.memory_space<vmem_shared>>) dst(%dma_wait3A_126 : memref<120x128xf32, #tpu.memory_space<vmem>>)
      tpu.yield
    }) : () -> ()
    %add3A_57 = arith.constant 512 : i32
    %add3A_58 = arith.addi %add3A_38, %add3A_57 : i32
    "tpu.region"() ({
      %run_scoped3A = tpu.sem_alloc : memref<!tpu.dma_semaphore, #tpu.memory_space<semaphore_mem>>
      %dma_start3A_109 = arith.constant 0 : i32
      %dma_start3A_110 = arith.constant 0 : i32
      %dma_start3A_111 = tpu.memref_slice %arg10[%dma_start3A_109, %dma_start3A_110] : memref<128x128xf32, #tpu.memory_space<vmem>> -> memref<120x128xf32, #tpu.memory_space<vmem>>
      %dma_start3A_112 = arith.constant 0 : i32
      %dma_start3A_113 = tpu.memref_slice %arg5[%add3A_58, %dma_start3A_112] : memref<20224x128xf32, #tpu.memory_space<hbm>> -> memref<120x128xf32, #tpu.memory_space<hbm>>
      %dma_start3A_114 = arith.constant 0 : i32
      %dma_start3A_115 = tpu.memref_slice %arg5[%add3A_58, %dma_start3A_114] : memref<20224x128xf32, #tpu.memory_space<hbm>> -> memref<120x128xf32, #tpu.memory_space<hbm>>
      %dma_start3A_116 = arith.constant 0 : i32
      %dma_start3A_117 = arith.constant 0 : i32
      %dma_start3A_118 = tpu.memref_slice %arg10[%dma_start3A_116, %dma_start3A_117] : memref<128x128xf32, #tpu.memory_space<vmem>> -> memref<120x128xf32, #tpu.memory_space<vmem>>
      tpu.enqueue_dma source(%dma_start3A_118 : memref<120x128xf32, #tpu.memory_space<vmem>>) target(%dma_start3A_115 : memref<120x128xf32, #tpu.memory_space<hbm>>) target_semaphore(%run_scoped3A : memref<!tpu.dma_semaphore, #tpu.memory_space<semaphore_mem>>)
      %dma_wait3A_119 = arith.constant 0 : i32
      %dma_wait3A_120 = arith.constant 0 : i32
      %dma_wait3A_121 = tpu.memref_slice %arg10[%dma_wait3A_119, %dma_wait3A_120] : memref<128x128xf32, #tpu.memory_space<vmem>> -> memref<120x128xf32, #tpu.memory_space<vmem>>
      %dma_wait3A_122 = arith.constant 0 : i32
      %dma_wait3A_123 = tpu.memref_slice %arg5[%add3A_58, %dma_wait3A_122] : memref<20224x128xf32, #tpu.memory_space<hbm>> -> memref<120x128xf32, #tpu.memory_space<hbm>>
      %dma_wait3A_124 = arith.constant 0 : i32
      %dma_wait3A_125 = tpu.memref_slice %arg5[%add3A_58, %dma_wait3A_124] : memref<20224x128xf32, #tpu.memory_space<hbm>> -> memref<120x128xf32, #tpu.memory_space<hbm>>
      %dma_wait3A_126 = arith.constant 0 : i32
      %dma_wait3A_127 = arith.constant 0 : i32
      %dma_wait3A_128 = tpu.memref_slice %arg10[%dma_wait3A_126, %dma_wait3A_127] : memref<128x128xf32, #tpu.memory_space<vmem>> -> memref<120x128xf32, #tpu.memory_space<vmem>>
      tpu.wait_dma2 semaphore(%run_scoped3A : memref<!tpu.dma_semaphore, #tpu.memory_space<semaphore_mem>>) src(%dma_wait3A_128 : memref<120x128xf32, #tpu.memory_space<vmem>>) dst(%dma_wait3A_125 : memref<120x128xf32, #tpu.memory_space<hbm>>)
      tpu.yield
    }) : () -> ()
    %scan3A_59 = arith.constant 0 : i32
    %scan3A_60 = arith.constant 0 : i32
    %scan3A_61 = arith.constant 128 : i32
    %scan3A_62 = arith.addi %scan3A_60, %scan3A_61 : i32
    %scan3A_63 = arith.constant 1 : i32
    scf.for %scan3A_109 = %scan3A_60 to %scan3A_62 step %scan3A_63  : i32 {
      %swap3A = arith.index_cast %scan3A_109 : i32 to index
      %swap3A_110 = arith.constant 0 : index
      %swap3A_111 = tpu.vector_load %arg10[%swap3A, %swap3A_110] {strides = array<i32>} : memref<128x128xf32, #tpu.memory_space<vmem>>, vector<1x16xf32>,
      %swap3A_112 = vector.shape_cast %swap3A_111 : vector<1x16xf32> to vector<16xf32>
      %swap3A_113 = vector.shape_cast %broadcast_in_dim3A_1 : vector<16xf32> to vector<1x16xf32>
      tpu.vector_store %arg10[%swap3A, %swap3A_110], %swap3A_113 {strides = array<i32>} : memref<128x128xf32, #tpu.memory_space<vmem>>, vector<1x16xf32>,
      %swap3A_114 = arith.index_cast %scan3A_109 : i32 to index
      %swap3A_115 = arith.constant 16 : index
      %swap3A_116 = tpu.vector_load %arg10[%swap3A_114, %swap3A_115] {strides = array<i32>} : memref<128x128xf32, #tpu.memory_space<vmem>>, vector<1x16xf32>,
      %swap3A_117 = vector.shape_cast %swap3A_116 : vector<1x16xf32> to vector<16xf32>
      %swap3A_118 = vector.shape_cast %broadcast_in_dim3A_1 : vector<16xf32> to vector<1x16xf32>
      tpu.vector_store %arg10[%swap3A_114, %swap3A_115], %swap3A_118 {strides = array<i32>} : memref<128x128xf32, #tpu.memory_space<vmem>>, vector<1x16xf32>,
      %swap3A_119 = arith.index_cast %scan3A_109 : i32 to index
      %swap3A_120 = arith.constant 32 : index
      %swap3A_121 = tpu.vector_load %arg10[%swap3A_119, %swap3A_120] {strides = array<i32>} : memref<128x128xf32, #tpu.memory_space<vmem>>, vector<1x16xf32>,
      %swap3A_122 = vector.shape_cast %swap3A_121 : vector<1x16xf32> to vector<16xf32>
      %swap3A_123 = vector.shape_cast %broadcast_in_dim3A_1 : vector<16xf32> to vector<1x16xf32>
      tpu.vector_store %arg10[%swap3A_119, %swap3A_120], %swap3A_123 {strides = array<i32>} : memref<128x128xf32, #tpu.memory_space<vmem>>, vector<1x16xf32>,
      %swap3A_124 = arith.index_cast %scan3A_109 : i32 to index
      %swap3A_125 = arith.constant 48 : index
      %swap3A_126 = tpu.vector_load %arg10[%swap3A_124, %swap3A_125] {strides = array<i32>} : memref<128x128xf32, #tpu.memory_space<vmem>>, vector<1x16xf32>,
      %swap3A_127 = vector.shape_cast %swap3A_126 : vector<1x16xf32> to vector<16xf32>
      %swap3A_128 = vector.shape_cast %broadcast_in_dim3A_1 : vector<16xf32> to vector<1x16xf32>
      tpu.vector_store %arg10[%swap3A_124, %swap3A_125], %swap3A_128 {strides = array<i32>} : memref<128x128xf32, #tpu.memory_space<vmem>>, vector<1x16xf32>,
      %swap3A_129 = arith.index_cast %scan3A_109 : i32 to index
      %swap3A_130 = arith.constant 64 : index
      %swap3A_131 = tpu.vector_load %arg10[%swap3A_129, %swap3A_130] {strides = array<i32>} : memref<128x128xf32, #tpu.memory_space<vmem>>, vector<1x16xf32>,
      %swap3A_132 = vector.shape_cast %swap3A_131 : vector<1x16xf32> to vector<16xf32>
      %swap3A_133 = vector.shape_cast %broadcast_in_dim3A_1 : vector<16xf32> to vector<1x16xf32>
      tpu.vector_store %arg10[%swap3A_129, %swap3A_130], %swap3A_133 {strides = array<i32>} : memref<128x128xf32, #tpu.memory_space<vmem>>, vector<1x16xf32>,
      %swap3A_134 = arith.index_cast %scan3A_109 : i32 to index
      %swap3A_135 = arith.constant 80 : index
      %swap3A_136 = tpu.vector_load %arg10[%swap3A_134, %swap3A_135] {strides = array<i32>} : memref<128x128xf32, #tpu.memory_space<vmem>>, vector<1x16xf32>,
      %swap3A_137 = vector.shape_cast %swap3A_136 : vector<1x16xf32> to vector<16xf32>
      %swap3A_138 = vector.shape_cast %broadcast_in_dim3A_1 : vector<16xf32> to vector<1x16xf32>
      tpu.vector_store %arg10[%swap3A_134, %swap3A_135], %swap3A_138 {strides = array<i32>} : memref<128x128xf32, #tpu.memory_space<vmem>>, vector<1x16xf32>,
      %swap3A_139 = arith.index_cast %scan3A_109 : i32 to index
      %swap3A_140 = arith.constant 96 : index
      %swap3A_141 = tpu.vector_load %arg10[%swap3A_139, %swap3A_140] {strides = array<i32>} : memref<128x128xf32, #tpu.memory_space<vmem>>, vector<1x16xf32>,
      %swap3A_142 = vector.shape_cast %swap3A_141 : vector<1x16xf32> to vector<16xf32>
      %swap3A_143 = vector.shape_cast %broadcast_in_dim3A_1 : vector<16xf32> to vector<1x16xf32>
      tpu.vector_store %arg10[%swap3A_139, %swap3A_140], %swap3A_143 {strides = array<i32>} : memref<128x128xf32, #tpu.memory_space<vmem>>, vector<1x16xf32>,
      %swap3A_144 = arith.index_cast %scan3A_109 : i32 to index
      %swap3A_145 = arith.constant 112 : index
      %swap3A_146 = tpu.vector_load %arg10[%swap3A_144, %swap3A_145] {strides = array<i32>} : memref<128x128xf32, #tpu.memory_space<vmem>>, vector<1x16xf32>,
      %swap3A_147 = vector.shape_cast %swap3A_146 : vector<1x16xf32> to vector<16xf32>
      %swap3A_148 = vector.shape_cast %broadcast_in_dim3A_1 : vector<16xf32> to vector<1x16xf32>
      tpu.vector_store %arg10[%swap3A_144, %swap3A_145], %swap3A_148 {strides = array<i32>} : memref<128x128xf32, #tpu.memory_space<vmem>>, vector<1x16xf32>,
    }
    %scan3A_64 = arith.constant 128 : i32
    %add3A_65 = arith.constant 0 : i32
    %add3A_66 = arith.addi %mul3A_10, %add3A_65 : i32
    "tpu.region"() ({
      %run_scoped3A = tpu.sem_alloc : memref<!tpu.dma_semaphore, #tpu.memory_space<semaphore_mem>>
      %dma_start3A_109 = arith.constant 0 : i32
      %dma_start3A_110 = tpu.memref_slice %arg7[%add3A_66, %dma_start3A_109] : memref<10112x128xf32, #tpu.memory_space<vmem_shared>> -> memref<128x128xf32, #tpu.memory_space<vmem_shared>>
      %dma_start3A_111 = arith.constant 0 : i32
      %dma_start3A_112 = tpu.memref_slice %arg7[%add3A_66, %dma_start3A_111] : memref<10112x128xf32, #tpu.memory_space<vmem_shared>> -> memref<128x128xf32, #tpu.memory_space<vmem_shared>>
      tpu.enqueue_dma source(%arg10 : memref<128x128xf32, #tpu.memory_space<vmem>>) target(%dma_start3A_112 : memref<128x128xf32, #tpu.memory_space<vmem_shared>>) target_semaphore(%run_scoped3A : memref<!tpu.dma_semaphore, #tpu.memory_space<semaphore_mem>>)
      %dma_wait3A_113 = arith.constant 0 : i32
      %dma_wait3A_114 = tpu.memref_slice %arg7[%add3A_66, %dma_wait3A_113] : memref<10112x128xf32, #tpu.memory_space<vmem_shared>> -> memref<128x128xf32, #tpu.memory_space<vmem_shared>>
      %dma_wait3A_115 = arith.constant 0 : i32
      %dma_wait3A_116 = tpu.memref_slice %arg7[%add3A_66, %dma_wait3A_115] : memref<10112x128xf32, #tpu.memory_space<vmem_shared>> -> memref<128x128xf32, #tpu.memory_space<vmem_shared>>
      tpu.wait_dma2 semaphore(%run_scoped3A : memref<!tpu.dma_semaphore, #tpu.memory_space<semaphore_mem>>) src(%arg10 : memref<128x128xf32, #tpu.memory_space<vmem>>) dst(%dma_wait3A_116 : memref<128x128xf32, #tpu.memory_space<vmem_shared>>)
      tpu.yield
    }) : () -> ()
    %add3A_67 = arith.constant 128 : i32
    %add3A_68 = arith.addi %mul3A_10, %add3A_67 : i32
    "tpu.region"() ({
      %run_scoped3A = tpu.sem_alloc : memref<!tpu.dma_semaphore, #tpu.memory_space<semaphore_mem>>
      %dma_start3A_109 = arith.constant 0 : i32
      %dma_start3A_110 = tpu.memref_slice %arg7[%add3A_68, %dma_start3A_109] : memref<10112x128xf32, #tpu.memory_space<vmem_shared>> -> memref<128x128xf32, #tpu.memory_space<vmem_shared>>
      %dma_start3A_111 = arith.constant 0 : i32
      %dma_start3A_112 = tpu.memref_slice %arg7[%add3A_68, %dma_start3A_111] : memref<10112x128xf32, #tpu.memory_space<vmem_shared>> -> memref<128x128xf32, #tpu.memory_space<vmem_shared>>
      tpu.enqueue_dma source(%arg10 : memref<128x128xf32, #tpu.memory_space<vmem>>) target(%dma_start3A_112 : memref<128x128xf32, #tpu.memory_space<vmem_shared>>) target_semaphore(%run_scoped3A : memref<!tpu.dma_semaphore, #tpu.memory_space<semaphore_mem>>)
      %dma_wait3A_113 = arith.constant 0 : i32
      %dma_wait3A_114 = tpu.memref_slice %arg7[%add3A_68, %dma_wait3A_113] : memref<10112x128xf32, #tpu.memory_space<vmem_shared>> -> memref<128x128xf32, #tpu.memory_space<vmem_shared>>
      %dma_wait3A_115 = arith.constant 0 : i32
      %dma_wait3A_116 = tpu.memref_slice %arg7[%add3A_68, %dma_wait3A_115] : memref<10112x128xf32, #tpu.memory_space<vmem_shared>> -> memref<128x128xf32, #tpu.memory_space<vmem_shared>>
      tpu.wait_dma2 semaphore(%run_scoped3A : memref<!tpu.dma_semaphore, #tpu.memory_space<semaphore_mem>>) src(%arg10 : memref<128x128xf32, #tpu.memory_space<vmem>>) dst(%dma_wait3A_116 : memref<128x128xf32, #tpu.memory_space<vmem_shared>>)
      tpu.yield
    }) : () -> ()
    %add3A_69 = arith.constant 256 : i32
    %add3A_70 = arith.addi %mul3A_10, %add3A_69 : i32
    "tpu.region"() ({
      %run_scoped3A = tpu.sem_alloc : memref<!tpu.dma_semaphore, #tpu.memory_space<semaphore_mem>>
      %dma_start3A_109 = arith.constant 0 : i32
      %dma_start3A_110 = tpu.memref_slice %arg7[%add3A_70, %dma_start3A_109] : memref<10112x128xf32, #tpu.memory_space<vmem_shared>> -> memref<128x128xf32, #tpu.memory_space<vmem_shared>>
      %dma_start3A_111 = arith.constant 0 : i32
      %dma_start3A_112 = tpu.memref_slice %arg7[%add3A_70, %dma_start3A_111] : memref<10112x128xf32, #tpu.memory_space<vmem_shared>> -> memref<128x128xf32, #tpu.memory_space<vmem_shared>>
      tpu.enqueue_dma source(%arg10 : memref<128x128xf32, #tpu.memory_space<vmem>>) target(%dma_start3A_112 : memref<128x128xf32, #tpu.memory_space<vmem_shared>>) target_semaphore(%run_scoped3A : memref<!tpu.dma_semaphore, #tpu.memory_space<semaphore_mem>>)
      %dma_wait3A_113 = arith.constant 0 : i32
      %dma_wait3A_114 = tpu.memref_slice %arg7[%add3A_70, %dma_wait3A_113] : memref<10112x128xf32, #tpu.memory_space<vmem_shared>> -> memref<128x128xf32, #tpu.memory_space<vmem_shared>>
      %dma_wait3A_115 = arith.constant 0 : i32
      %dma_wait3A_116 = tpu.memref_slice %arg7[%add3A_70, %dma_wait3A_115] : memref<10112x128xf32, #tpu.memory_space<vmem_shared>> -> memref<128x128xf32, #tpu.memory_space<vmem_shared>>
      tpu.wait_dma2 semaphore(%run_scoped3A : memref<!tpu.dma_semaphore, #tpu.memory_space<semaphore_mem>>) src(%arg10 : memref<128x128xf32, #tpu.memory_space<vmem>>) dst(%dma_wait3A_116 : memref<128x128xf32, #tpu.memory_space<vmem_shared>>)
      tpu.yield
    }) : () -> ()
    %add3A_71 = arith.constant 384 : i32
    %add3A_72 = arith.addi %mul3A_10, %add3A_71 : i32
    "tpu.region"() ({
      %run_scoped3A = tpu.sem_alloc : memref<!tpu.dma_semaphore, #tpu.memory_space<semaphore_mem>>
      %dma_start3A_109 = arith.constant 0 : i32
      %dma_start3A_110 = tpu.memref_slice %arg7[%add3A_72, %dma_start3A_109] : memref<10112x128xf32, #tpu.memory_space<vmem_shared>> -> memref<128x128xf32, #tpu.memory_space<vmem_shared>>
      %dma_start3A_111 = arith.constant 0 : i32
      %dma_start3A_112 = tpu.memref_slice %arg7[%add3A_72, %dma_start3A_111] : memref<10112x128xf32, #tpu.memory_space<vmem_shared>> -> memref<128x128xf32, #tpu.memory_space<vmem_shared>>
      tpu.enqueue_dma source(%arg10 : memref<128x128xf32, #tpu.memory_space<vmem>>) target(%dma_start3A_112 : memref<128x128xf32, #tpu.memory_space<vmem_shared>>) target_semaphore(%run_scoped3A : memref<!tpu.dma_semaphore, #tpu.memory_space<semaphore_mem>>)
      %dma_wait3A_113 = arith.constant 0 : i32
      %dma_wait3A_114 = tpu.memref_slice %arg7[%add3A_72, %dma_wait3A_113] : memref<10112x128xf32, #tpu.memory_space<vmem_shared>> -> memref<128x128xf32, #tpu.memory_space<vmem_shared>>
      %dma_wait3A_115 = arith.constant 0 : i32
      %dma_wait3A_116 = tpu.memref_slice %arg7[%add3A_72, %dma_wait3A_115] : memref<10112x128xf32, #tpu.memory_space<vmem_shared>> -> memref<128x128xf32, #tpu.memory_space<vmem_shared>>
      tpu.wait_dma2 semaphore(%run_scoped3A : memref<!tpu.dma_semaphore, #tpu.memory_space<semaphore_mem>>) src(%arg10 : memref<128x128xf32, #tpu.memory_space<vmem>>) dst(%dma_wait3A_116 : memref<128x128xf32, #tpu.memory_space<vmem_shared>>)
      tpu.yield
    }) : () -> ()
    %add3A_73 = arith.constant 512 : i32
    %add3A_74 = arith.addi %mul3A_10, %add3A_73 : i32
    "tpu.region"() ({
      %run_scoped3A = tpu.sem_alloc : memref<!tpu.dma_semaphore, #tpu.memory_space<semaphore_mem>>
      %dma_start3A_109 = arith.constant 0 : i32
      %dma_start3A_110 = arith.constant 0 : i32
      %dma_start3A_111 = tpu.memref_slice %arg10[%dma_start3A_109, %dma_start3A_110] : memref<128x128xf32, #tpu.memory_space<vmem>> -> memref<120x128xf32, #tpu.memory_space<vmem>>
      %dma_start3A_112 = arith.constant 0 : i32
      %dma_start3A_113 = tpu.memref_slice %arg7[%add3A_74, %dma_start3A_112] : memref<10112x128xf32, #tpu.memory_space<vmem_shared>> -> memref<120x128xf32, #tpu.memory_space<vmem_shared>>
      %dma_start3A_114 = arith.constant 0 : i32
      %dma_start3A_115 = tpu.memref_slice %arg7[%add3A_74, %dma_start3A_114] : memref<10112x128xf32, #tpu.memory_space<vmem_shared>> -> memref<120x128xf32, #tpu.memory_space<vmem_shared>>
      %dma_start3A_116 = arith.constant 0 : i32
      %dma_start3A_117 = arith.constant 0 : i32
      %dma_start3A_118 = tpu.memref_slice %arg10[%dma_start3A_116, %dma_start3A_117] : memref<128x128xf32, #tpu.memory_space<vmem>> -> memref<120x128xf32, #tpu.memory_space<vmem>>
      tpu.enqueue_dma source(%dma_start3A_118 : memref<120x128xf32, #tpu.memory_space<vmem>>) target(%dma_start3A_115 : memref<120x128xf32, #tpu.memory_space<vmem_shared>>) target_semaphore(%run_scoped3A : memref<!tpu.dma_semaphore, #tpu.memory_space<semaphore_mem>>)
      %dma_wait3A_119 = arith.constant 0 : i32
      %dma_wait3A_120 = arith.constant 0 : i32
      %dma_wait3A_121 = tpu.memref_slice %arg10[%dma_wait3A_119, %dma_wait3A_120] : memref<128x128xf32, #tpu.memory_space<vmem>> -> memref<120x128xf32, #tpu.memory_space<vmem>>
      %dma_wait3A_122 = arith.constant 0 : i32
      %dma_wait3A_123 = tpu.memref_slice %arg7[%add3A_74, %dma_wait3A_122] : memref<10112x128xf32, #tpu.memory_space<vmem_shared>> -> memref<120x128xf32, #tpu.memory_space<vmem_shared>>
      %dma_wait3A_124 = arith.constant 0 : i32
      %dma_wait3A_125 = tpu.memref_slice %arg7[%add3A_74, %dma_wait3A_124] : memref<10112x128xf32, #tpu.memory_space<vmem_shared>> -> memref<120x128xf32, #tpu.memory_space<vmem_shared>>
      %dma_wait3A_126 = arith.constant 0 : i32
      %dma_wait3A_127 = arith.constant 0 : i32
      %dma_wait3A_128 = tpu.memref_slice %arg10[%dma_wait3A_126, %dma_wait3A_127] : memref<128x128xf32, #tpu.memory_space<vmem>> -> memref<120x128xf32, #tpu.memory_space<vmem>>
      tpu.wait_dma2 semaphore(%run_scoped3A : memref<!tpu.dma_semaphore, #tpu.memory_space<semaphore_mem>>) src(%dma_wait3A_128 : memref<120x128xf32, #tpu.memory_space<vmem>>) dst(%dma_wait3A_125 : memref<120x128xf32, #tpu.memory_space<vmem_shared>>)
      tpu.yield
    }) : () -> ()
    %barrier3A_75 = arith.constant 0 : index
    tpu.barrier barrier_id(%barrier3A_75)
    %scan3A_76 = arith.constant 0 : i32
    %scan3A_77 = arith.constant 0 : i32
    %scan3A_78 = arith.constant 128 : i32
    %scan3A_79 = arith.addi %scan3A_77, %scan3A_78 : i32
    %scan3A_80 = arith.constant 1 : i32
    scf.for %scan3A_109 = %scan3A_77 to %scan3A_79 step %scan3A_80  : i32 {
      %swap3A = arith.index_cast %scan3A_109 : i32 to index
      %swap3A_110 = arith.constant 0 : index
      %swap3A_111 = tpu.vector_load %arg10[%swap3A, %swap3A_110] {strides = array<i32>} : memref<128x128xf32, #tpu.memory_space<vmem>>, vector<1x16xf32>,
      %swap3A_112 = vector.shape_cast %swap3A_111 : vector<1x16xf32> to vector<16xf32>
      %swap3A_113 = vector.shape_cast %broadcast_in_dim3A_3 : vector<16xf32> to vector<1x16xf32>
      tpu.vector_store %arg10[%swap3A, %swap3A_110], %swap3A_113 {strides = array<i32>} : memref<128x128xf32, #tpu.memory_space<vmem>>, vector<1x16xf32>,
      %swap3A_114 = arith.index_cast %scan3A_109 : i32 to index
      %swap3A_115 = arith.constant 0 : index
      %swap3A_116 = tpu.vector_load %arg11[%swap3A_114, %swap3A_115] {strides = array<i32>} : memref<128x128xf32, #tpu.memory_space<vmem>>, vector<1x16xf32>,
      %swap3A_117 = vector.shape_cast %swap3A_116 : vector<1x16xf32> to vector<16xf32>
      %swap3A_118 = vector.shape_cast %broadcast_in_dim3A_3 : vector<16xf32> to vector<1x16xf32>
      tpu.vector_store %arg11[%swap3A_114, %swap3A_115], %swap3A_118 {strides = array<i32>} : memref<128x128xf32, #tpu.memory_space<vmem>>, vector<1x16xf32>,
      %swap3A_119 = arith.index_cast %scan3A_109 : i32 to index
      %swap3A_120 = arith.constant 16 : index
      %swap3A_121 = tpu.vector_load %arg10[%swap3A_119, %swap3A_120] {strides = array<i32>} : memref<128x128xf32, #tpu.memory_space<vmem>>, vector<1x16xf32>,
      %swap3A_122 = vector.shape_cast %swap3A_121 : vector<1x16xf32> to vector<16xf32>
      %swap3A_123 = vector.shape_cast %broadcast_in_dim3A_3 : vector<16xf32> to vector<1x16xf32>
      tpu.vector_store %arg10[%swap3A_119, %swap3A_120], %swap3A_123 {strides = array<i32>} : memref<128x128xf32, #tpu.memory_space<vmem>>, vector<1x16xf32>,
      %swap3A_124 = arith.index_cast %scan3A_109 : i32 to index
      %swap3A_125 = arith.constant 16 : index
      %swap3A_126 = tpu.vector_load %arg11[%swap3A_124, %swap3A_125] {strides = array<i32>} : memref<128x128xf32, #tpu.memory_space<vmem>>, vector<1x16xf32>,
      %swap3A_127 = vector.shape_cast %swap3A_126 : vector<1x16xf32> to vector<16xf32>
      %swap3A_128 = vector.shape_cast %broadcast_in_dim3A_3 : vector<16xf32> to vector<1x16xf32>
      tpu.vector_store %arg11[%swap3A_124, %swap3A_125], %swap3A_128 {strides = array<i32>} : memref<128x128xf32, #tpu.memory_space<vmem>>, vector<1x16xf32>,
      %swap3A_129 = arith.index_cast %scan3A_109 : i32 to index
      %swap3A_130 = arith.constant 32 : index
      %swap3A_131 = tpu.vector_load %arg10[%swap3A_129, %swap3A_130] {strides = array<i32>} : memref<128x128xf32, #tpu.memory_space<vmem>>, vector<1x16xf32>,
      %swap3A_132 = vector.shape_cast %swap3A_131 : vector<1x16xf32> to vector<16xf32>
      %swap3A_133 = vector.shape_cast %broadcast_in_dim3A_3 : vector<16xf32> to vector<1x16xf32>
      tpu.vector_store %arg10[%swap3A_129, %swap3A_130], %swap3A_133 {strides = array<i32>} : memref<128x128xf32, #tpu.memory_space<vmem>>, vector<1x16xf32>,
      %swap3A_134 = arith.index_cast %scan3A_109 : i32 to index
      %swap3A_135 = arith.constant 32 : index
      %swap3A_136 = tpu.vector_load %arg11[%swap3A_134, %swap3A_135] {strides = array<i32>} : memref<128x128xf32, #tpu.memory_space<vmem>>, vector<1x16xf32>,
      %swap3A_137 = vector.shape_cast %swap3A_136 : vector<1x16xf32> to vector<16xf32>
      %swap3A_138 = vector.shape_cast %broadcast_in_dim3A_3 : vector<16xf32> to vector<1x16xf32>
      tpu.vector_store %arg11[%swap3A_134, %swap3A_135], %swap3A_138 {strides = array<i32>} : memref<128x128xf32, #tpu.memory_space<vmem>>, vector<1x16xf32>,
      %swap3A_139 = arith.index_cast %scan3A_109 : i32 to index
      %swap3A_140 = arith.constant 48 : index
      %swap3A_141 = tpu.vector_load %arg10[%swap3A_139, %swap3A_140] {strides = array<i32>} : memref<128x128xf32, #tpu.memory_space<vmem>>, vector<1x16xf32>,
      %swap3A_142 = vector.shape_cast %swap3A_141 : vector<1x16xf32> to vector<16xf32>
      %swap3A_143 = vector.shape_cast %broadcast_in_dim3A_3 : vector<16xf32> to vector<1x16xf32>
      tpu.vector_store %arg10[%swap3A_139, %swap3A_140], %swap3A_143 {strides = array<i32>} : memref<128x128xf32, #tpu.memory_space<vmem>>, vector<1x16xf32>,
      %swap3A_144 = arith.index_cast %scan3A_109 : i32 to index
      %swap3A_145 = arith.constant 48 : index
      %swap3A_146 = tpu.vector_load %arg11[%swap3A_144, %swap3A_145] {strides = array<i32>} : memref<128x128xf32, #tpu.memory_space<vmem>>, vector<1x16xf32>,
      %swap3A_147 = vector.shape_cast %swap3A_146 : vector<1x16xf32> to vector<16xf32>
      %swap3A_148 = vector.shape_cast %broadcast_in_dim3A_3 : vector<16xf32> to vector<1x16xf32>
      tpu.vector_store %arg11[%swap3A_144, %swap3A_145], %swap3A_148 {strides = array<i32>} : memref<128x128xf32, #tpu.memory_space<vmem>>, vector<1x16xf32>,
      %swap3A_149 = arith.index_cast %scan3A_109 : i32 to index
      %swap3A_150 = arith.constant 64 : index
      %swap3A_151 = tpu.vector_load %arg10[%swap3A_149, %swap3A_150] {strides = array<i32>} : memref<128x128xf32, #tpu.memory_space<vmem>>, vector<1x16xf32>,
      %swap3A_152 = vector.shape_cast %swap3A_151 : vector<1x16xf32> to vector<16xf32>
      %swap3A_153 = vector.shape_cast %broadcast_in_dim3A_3 : vector<16xf32> to vector<1x16xf32>
      tpu.vector_store %arg10[%swap3A_149, %swap3A_150], %swap3A_153 {strides = array<i32>} : memref<128x128xf32, #tpu.memory_space<vmem>>, vector<1x16xf32>,
      %swap3A_154 = arith.index_cast %scan3A_109 : i32 to index
      %swap3A_155 = arith.constant 64 : index
      %swap3A_156 = tpu.vector_load %arg11[%swap3A_154, %swap3A_155] {strides = array<i32>} : memref<128x128xf32, #tpu.memory_space<vmem>>, vector<1x16xf32>,
      %swap3A_157 = vector.shape_cast %swap3A_156 : vector<1x16xf32> to vector<16xf32>
      %swap3A_158 = vector.shape_cast %broadcast_in_dim3A_3 : vector<16xf32> to vector<1x16xf32>
      tpu.vector_store %arg11[%swap3A_154, %swap3A_155], %swap3A_158 {strides = array<i32>} : memref<128x128xf32, #tpu.memory_space<vmem>>, vector<1x16xf32>,
      %swap3A_159 = arith.index_cast %scan3A_109 : i32 to index
      %swap3A_160 = arith.constant 80 : index
      %swap3A_161 = tpu.vector_load %arg10[%swap3A_159, %swap3A_160] {strides = array<i32>} : memref<128x128xf32, #tpu.memory_space<vmem>>, vector<1x16xf32>,
      %swap3A_162 = vector.shape_cast %swap3A_161 : vector<1x16xf32> to vector<16xf32>
      %swap3A_163 = vector.shape_cast %broadcast_in_dim3A_3 : vector<16xf32> to vector<1x16xf32>
      tpu.vector_store %arg10[%swap3A_159, %swap3A_160], %swap3A_163 {strides = array<i32>} : memref<128x128xf32, #tpu.memory_space<vmem>>, vector<1x16xf32>,
      %swap3A_164 = arith.index_cast %scan3A_109 : i32 to index
      %swap3A_165 = arith.constant 80 : index
      %swap3A_166 = tpu.vector_load %arg11[%swap3A_164, %swap3A_165] {strides = array<i32>} : memref<128x128xf32, #tpu.memory_space<vmem>>, vector<1x16xf32>,
      %swap3A_167 = vector.shape_cast %swap3A_166 : vector<1x16xf32> to vector<16xf32>
      %swap3A_168 = vector.shape_cast %broadcast_in_dim3A_3 : vector<16xf32> to vector<1x16xf32>
      tpu.vector_store %arg11[%swap3A_164, %swap3A_165], %swap3A_168 {strides = array<i32>} : memref<128x128xf32, #tpu.memory_space<vmem>>, vector<1x16xf32>,
      %swap3A_169 = arith.index_cast %scan3A_109 : i32 to index
      %swap3A_170 = arith.constant 96 : index
      %swap3A_171 = tpu.vector_load %arg10[%swap3A_169, %swap3A_170] {strides = array<i32>} : memref<128x128xf32, #tpu.memory_space<vmem>>, vector<1x16xf32>,
      %swap3A_172 = vector.shape_cast %swap3A_171 : vector<1x16xf32> to vector<16xf32>
      %swap3A_173 = vector.shape_cast %broadcast_in_dim3A_3 : vector<16xf32> to vector<1x16xf32>
      tpu.vector_store %arg10[%swap3A_169, %swap3A_170], %swap3A_173 {strides = array<i32>} : memref<128x128xf32, #tpu.memory_space<vmem>>, vector<1x16xf32>,
      %swap3A_174 = arith.index_cast %scan3A_109 : i32 to index
      %swap3A_175 = arith.constant 96 : index
      %swap3A_176 = tpu.vector_load %arg11[%swap3A_174, %swap3A_175] {strides = array<i32>} : memref<128x128xf32, #tpu.memory_space<vmem>>, vector<1x16xf32>,
      %swap3A_177 = vector.shape_cast %swap3A_176 : vector<1x16xf32> to vector<16xf32>
      %swap3A_178 = vector.shape_cast %broadcast_in_dim3A_3 : vector<16xf32> to vector<1x16xf32>
      tpu.vector_store %arg11[%swap3A_174, %swap3A_175], %swap3A_178 {strides = array<i32>} : memref<128x128xf32, #tpu.memory_space<vmem>>, vector<1x16xf32>,
      %swap3A_179 = arith.index_cast %scan3A_109 : i32 to index
      %swap3A_180 = arith.constant 112 : index
      %swap3A_181 = tpu.vector_load %arg10[%swap3A_179, %swap3A_180] {strides = array<i32>} : memref<128x128xf32, #tpu.memory_space<vmem>>, vector<1x16xf32>,
      %swap3A_182 = vector.shape_cast %swap3A_181 : vector<1x16xf32> to vector<16xf32>
      %swap3A_183 = vector.shape_cast %broadcast_in_dim3A_3 : vector<16xf32> to vector<1x16xf32>
      tpu.vector_store %arg10[%swap3A_179, %swap3A_180], %swap3A_183 {strides = array<i32>} : memref<128x128xf32, #tpu.memory_space<vmem>>, vector<1x16xf32>,
      %swap3A_184 = arith.index_cast %scan3A_109 : i32 to index
      %swap3A_185 = arith.constant 112 : index
      %swap3A_186 = tpu.vector_load %arg11[%swap3A_184, %swap3A_185] {strides = array<i32>} : memref<128x128xf32, #tpu.memory_space<vmem>>, vector<1x16xf32>,
      %swap3A_187 = vector.shape_cast %swap3A_186 : vector<1x16xf32> to vector<16xf32>
      %swap3A_188 = vector.shape_cast %broadcast_in_dim3A_3 : vector<16xf32> to vector<1x16xf32>
      tpu.vector_store %arg11[%swap3A_184, %swap3A_185], %swap3A_188 {strides = array<i32>} : memref<128x128xf32, #tpu.memory_space<vmem>>, vector<1x16xf32>,
    }
    %scan3A_81 = arith.constant 128 : i32
    %scan3A_82 = arith.constant 0 : i32
    %scan3A_83 = arith.constant 0 : i32
    %scan3A_84 = arith.constant 39 : i32
    %scan3A_85 = arith.addi %scan3A_83, %scan3A_84 : i32
    %scan3A_86 = arith.constant 1 : i32
    scf.for %scan3A_109 = %scan3A_83 to %scan3A_85 step %scan3A_86  : i32 {
      %mul3A_110 = arith.constant 2 : i32
      %mul3A_111 = arith.muli %mul3A_110, %scan3A_109 : i32
      %mul3A_112 = arith.constant 128 : i32
      %mul3A_113 = arith.muli %mul3A_111, %mul3A_112 : i32
      %add3A_114 = arith.addi %mul3A_22, %mul3A_113 : i32
      %add3A_115 = arith.constant 128 : i32
      %add3A_116 = arith.addi %add3A_114, %add3A_115 : i32
      %run_scoped3A = arith.constant 0 : i32
      "tpu.region"() ({
        %run_scoped3A_146 = tpu.sem_alloc : memref<!tpu.dma_semaphore, #tpu.memory_space<semaphore_mem>>
        %dma_start3A_147 = arith.constant 0 : i32
        %dma_start3A_148 = tpu.memref_slice %arg9[%run_scoped3A, %dma_start3A_147] : memref<2x128xi32, #tpu.memory_space<vmem>> -> memref<1x128xi32, #tpu.memory_space<vmem>>
        %dma_start3A_149 = tpu.memref_squeeze %dma_start3A_148 : memref<1x128xi32, #tpu.memory_space<vmem>> -> memref<128xi32, #tpu.memory_space<vmem>>
        %dma_start3A_150 = tpu.memref_slice %arg4[%add3A_114] : memref<320000xi32, #tpu.memory_space<hbm>> -> memref<128xi32, #tpu.memory_space<hbm>>
        %dma_start3A_151 = arith.constant 0 : i32
        %dma_start3A_152 = tpu.memref_slice %arg9[%run_scoped3A, %dma_start3A_151] : memref<2x128xi32, #tpu.memory_space<vmem>> -> memref<1x128xi32, #tpu.memory_space<vmem>>
        %dma_start3A_153 = tpu.memref_squeeze %dma_start3A_152 : memref<1x128xi32, #tpu.memory_space<vmem>> -> memref<128xi32, #tpu.memory_space<vmem>>
        %dma_start3A_154 = tpu.memref_slice %arg4[%add3A_114] : memref<320000xi32, #tpu.memory_space<hbm>> -> memref<128xi32, #tpu.memory_space<hbm>>
        tpu.enqueue_dma source(%dma_start3A_154 : memref<128xi32, #tpu.memory_space<hbm>>) target(%dma_start3A_153 : memref<128xi32, #tpu.memory_space<vmem>>) target_semaphore(%run_scoped3A_146 : memref<!tpu.dma_semaphore, #tpu.memory_space<semaphore_mem>>)
        %dma_wait3A_155 = arith.constant 0 : i32
        %dma_wait3A_156 = tpu.memref_slice %arg9[%run_scoped3A, %dma_wait3A_155] : memref<2x128xi32, #tpu.memory_space<vmem>> -> memref<1x128xi32, #tpu.memory_space<vmem>>
        %dma_wait3A_157 = tpu.memref_squeeze %dma_wait3A_156 : memref<1x128xi32, #tpu.memory_space<vmem>> -> memref<128xi32, #tpu.memory_space<vmem>>
        %dma_wait3A_158 = tpu.memref_slice %arg4[%add3A_114] : memref<320000xi32, #tpu.memory_space<hbm>> -> memref<128xi32, #tpu.memory_space<hbm>>
        %dma_wait3A_159 = arith.constant 0 : i32
        %dma_wait3A_160 = tpu.memref_slice %arg9[%run_scoped3A, %dma_wait3A_159] : memref<2x128xi32, #tpu.memory_space<vmem>> -> memref<1x128xi32, #tpu.memory_space<vmem>>
        %dma_wait3A_161 = tpu.memref_squeeze %dma_wait3A_160 : memref<1x128xi32, #tpu.memory_space<vmem>> -> memref<128xi32, #tpu.memory_space<vmem>>
        %dma_wait3A_162 = tpu.memref_slice %arg4[%add3A_114] : memref<320000xi32, #tpu.memory_space<hbm>> -> memref<128xi32, #tpu.memory_space<hbm>>
        tpu.wait_dma2 semaphore(%run_scoped3A_146 : memref<!tpu.dma_semaphore, #tpu.memory_space<semaphore_mem>>) src(%dma_wait3A_162 : memref<128xi32, #tpu.memory_space<hbm>>) dst(%dma_wait3A_161 : memref<128xi32, #tpu.memory_space<vmem>>)
        tpu.yield
      }) : () -> ()
      %run_scoped3A_117 = arith.constant 1 : i32
      "tpu.region"() ({
        %run_scoped3A_146 = tpu.sem_alloc : memref<!tpu.dma_semaphore, #tpu.memory_space<semaphore_mem>>
        %dma_start3A_147 = arith.constant 0 : i32
        %dma_start3A_148 = tpu.memref_slice %arg9[%run_scoped3A_117, %dma_start3A_147] : memref<2x128xi32, #tpu.memory_space<vmem>> -> memref<1x128xi32, #tpu.memory_space<vmem>>
        %dma_start3A_149 = tpu.memref_squeeze %dma_start3A_148 : memref<1x128xi32, #tpu.memory_space<vmem>> -> memref<128xi32, #tpu.memory_space<vmem>>
        %dma_start3A_150 = tpu.memref_slice %arg4[%add3A_116] : memref<320000xi32, #tpu.memory_space<hbm>> -> memref<128xi32, #tpu.memory_space<hbm>>
        %dma_start3A_151 = arith.constant 0 : i32
        %dma_start3A_152 = tpu.memref_slice %arg9[%run_scoped3A_117, %dma_start3A_151] : memref<2x128xi32, #tpu.memory_space<vmem>> -> memref<1x128xi32, #tpu.memory_space<vmem>>
        %dma_start3A_153 = tpu.memref_squeeze %dma_start3A_152 : memref<1x128xi32, #tpu.memory_space<vmem>> -> memref<128xi32, #tpu.memory_space<vmem>>
        %dma_start3A_154 = tpu.memref_slice %arg4[%add3A_116] : memref<320000xi32, #tpu.memory_space<hbm>> -> memref<128xi32, #tpu.memory_space<hbm>>
        tpu.enqueue_dma source(%dma_start3A_154 : memref<128xi32, #tpu.memory_space<hbm>>) target(%dma_start3A_153 : memref<128xi32, #tpu.memory_space<vmem>>) target_semaphore(%run_scoped3A_146 : memref<!tpu.dma_semaphore, #tpu.memory_space<semaphore_mem>>)
        %dma_wait3A_155 = arith.constant 0 : i32
        %dma_wait3A_156 = tpu.memref_slice %arg9[%run_scoped3A_117, %dma_wait3A_155] : memref<2x128xi32, #tpu.memory_space<vmem>> -> memref<1x128xi32, #tpu.memory_space<vmem>>
        %dma_wait3A_157 = tpu.memref_squeeze %dma_wait3A_156 : memref<1x128xi32, #tpu.memory_space<vmem>> -> memref<128xi32, #tpu.memory_space<vmem>>
        %dma_wait3A_158 = tpu.memref_slice %arg4[%add3A_116] : memref<320000xi32, #tpu.memory_space<hbm>> -> memref<128xi32, #tpu.memory_space<hbm>>
        %dma_wait3A_159 = arith.constant 0 : i32
        %dma_wait3A_160 = tpu.memref_slice %arg9[%run_scoped3A_117, %dma_wait3A_159] : memref<2x128xi32, #tpu.memory_space<vmem>> -> memref<1x128xi32, #tpu.memory_space<vmem>>
        %dma_wait3A_161 = tpu.memref_squeeze %dma_wait3A_160 : memref<1x128xi32, #tpu.memory_space<vmem>> -> memref<128xi32, #tpu.memory_space<vmem>>
        %dma_wait3A_162 = tpu.memref_slice %arg4[%add3A_116] : memref<320000xi32, #tpu.memory_space<hbm>> -> memref<128xi32, #tpu.memory_space<hbm>>
        tpu.wait_dma2 semaphore(%run_scoped3A_146 : memref<!tpu.dma_semaphore, #tpu.memory_space<semaphore_mem>>) src(%dma_wait3A_162 : memref<128xi32, #tpu.memory_space<hbm>>) dst(%dma_wait3A_161 : memref<128xi32, #tpu.memory_space<vmem>>)
        tpu.yield
      }) : () -> ()
      %dma_start3A_118 = arith.constant 0 : i32
      %dma_start3A_119 = arith.constant 0 : i32
      %dma_start3A_120 = tpu.memref_slice %arg9[%dma_start3A_118, %dma_start3A_119] : memref<2x128xi32, #tpu.memory_space<vmem>> -> memref<1x128xi32, #tpu.memory_space<vmem>>
      %dma_start3A_121 = tpu.memref_squeeze %dma_start3A_120 : memref<1x128xi32, #tpu.memory_space<vmem>> -> memref<128xi32, #tpu.memory_space<vmem>>
      %dma_start3A_122 = arith.constant 0 : i32
      %dma_start3A_123 = arith.constant 0 : i32
      %dma_start3A_124 = tpu.memref_slice %arg7[%dma_start3A_122, %dma_start3A_123] : memref<10112x128xf32, #tpu.memory_space<vmem_shared>> -> memref<10112x128xf32, #tpu.memory_space<vmem_shared>>
      tpu.enqueue_indirect_dma source(%arg10 : memref<128x128xf32, #tpu.memory_space<vmem>>) target(%dma_start3A_124 : memref<10112x128xf32, #tpu.memory_space<vmem_shared>>) offsets(%dma_start3A_121 : memref<128xi32, #tpu.memory_space<vmem>>) semaphore(%arg15 : memref<!tpu.dma_semaphore, #tpu.memory_space<semaphore_mem>>) {add = true}
      %dma_start3A_125 = arith.constant 1 : i32
      %dma_start3A_126 = arith.constant 0 : i32
      %dma_start3A_127 = tpu.memref_slice %arg9[%dma_start3A_125, %dma_start3A_126] : memref<2x128xi32, #tpu.memory_space<vmem>> -> memref<1x128xi32, #tpu.memory_space<vmem>>
      %dma_start3A_128 = tpu.memref_squeeze %dma_start3A_127 : memref<1x128xi32, #tpu.memory_space<vmem>> -> memref<128xi32, #tpu.memory_space<vmem>>
      %dma_start3A_129 = arith.constant 0 : i32
      %dma_start3A_130 = arith.constant 0 : i32
      %dma_start3A_131 = tpu.memref_slice %arg7[%dma_start3A_129, %dma_start3A_130] : memref<10112x128xf32, #tpu.memory_space<vmem_shared>> -> memref<10112x128xf32, #tpu.memory_space<vmem_shared>>
      tpu.enqueue_indirect_dma source(%arg11 : memref<128x128xf32, #tpu.memory_space<vmem>>) target(%dma_start3A_131 : memref<10112x128xf32, #tpu.memory_space<vmem_shared>>) offsets(%dma_start3A_128 : memref<128xi32, #tpu.memory_space<vmem>>) semaphore(%arg16 : memref<!tpu.dma_semaphore, #tpu.memory_space<semaphore_mem>>) {add = true}
      %dma_wait3A_132 = arith.constant 0 : i32
      %dma_wait3A_133 = arith.constant 0 : i32
      %dma_wait3A_134 = tpu.memref_slice %arg9[%dma_wait3A_132, %dma_wait3A_133] : memref<2x128xi32, #tpu.memory_space<vmem>> -> memref<1x128xi32, #tpu.memory_space<vmem>>
      %dma_wait3A_135 = tpu.memref_squeeze %dma_wait3A_134 : memref<1x128xi32, #tpu.memory_space<vmem>> -> memref<128xi32, #tpu.memory_space<vmem>>
      %dma_wait3A_136 = arith.constant 0 : i32
      %dma_wait3A_137 = arith.constant 0 : i32
      %dma_wait3A_138 = tpu.memref_slice %arg7[%dma_wait3A_136, %dma_wait3A_137] : memref<10112x128xf32, #tpu.memory_space<vmem_shared>> -> memref<10112x128xf32, #tpu.memory_space<vmem_shared>>
      tpu.wait_indirect_dma semaphore(%arg15 : memref<!tpu.dma_semaphore, #tpu.memory_space<semaphore_mem>>) src(%arg10 : memref<128x128xf32, #tpu.memory_space<vmem>>) dst(%dma_wait3A_138 : memref<10112x128xf32, #tpu.memory_space<vmem_shared>>)
      %dma_wait3A_139 = arith.constant 1 : i32
      %dma_wait3A_140 = arith.constant 0 : i32
      %dma_wait3A_141 = tpu.memref_slice %arg9[%dma_wait3A_139, %dma_wait3A_140] : memref<2x128xi32, #tpu.memory_space<vmem>> -> memref<1x128xi32, #tpu.memory_space<vmem>>
      %dma_wait3A_142 = tpu.memref_squeeze %dma_wait3A_141 : memref<1x128xi32, #tpu.memory_space<vmem>> -> memref<128xi32, #tpu.memory_space<vmem>>
      %dma_wait3A_143 = arith.constant 0 : i32
      %dma_wait3A_144 = arith.constant 0 : i32
      %dma_wait3A_145 = tpu.memref_slice %arg7[%dma_wait3A_143, %dma_wait3A_144] : memref<10112x128xf32, #tpu.memory_space<vmem_shared>> -> memref<10112x128xf32, #tpu.memory_space<vmem_shared>>
      tpu.wait_indirect_dma semaphore(%arg16 : memref<!tpu.dma_semaphore, #tpu.memory_space<semaphore_mem>>) src(%arg11 : memref<128x128xf32, #tpu.memory_space<vmem>>) dst(%dma_wait3A_145 : memref<10112x128xf32, #tpu.memory_space<vmem_shared>>)
    }
    %scan3A_87 = arith.constant 39 : i32
    "tpu.region"() ({
      %run_scoped3A = tpu.sem_alloc : memref<!tpu.dma_semaphore, #tpu.memory_space<semaphore_mem>>
      %dma_start3A_109 = tpu.memref_slice %arg4[%add3A_30] : memref<320000xi32, #tpu.memory_space<hbm>> -> memref<16xi32, #tpu.memory_space<hbm>>
      %dma_start3A_110 = tpu.memref_slice %arg4[%add3A_30] : memref<320000xi32, #tpu.memory_space<hbm>> -> memref<16xi32, #tpu.memory_space<hbm>>
      tpu.enqueue_dma source(%dma_start3A_110 : memref<16xi32, #tpu.memory_space<hbm>>) target(%arg13 : memref<16xi32, #tpu.memory_space<vmem>>) target_semaphore(%run_scoped3A : memref<!tpu.dma_semaphore, #tpu.memory_space<semaphore_mem>>)
      %dma_wait3A_111 = tpu.memref_slice %arg4[%add3A_30] : memref<320000xi32, #tpu.memory_space<hbm>> -> memref<16xi32, #tpu.memory_space<hbm>>
      %dma_wait3A_112 = tpu.memref_slice %arg4[%add3A_30] : memref<320000xi32, #tpu.memory_space<hbm>> -> memref<16xi32, #tpu.memory_space<hbm>>
      tpu.wait_dma2 semaphore(%run_scoped3A : memref<!tpu.dma_semaphore, #tpu.memory_space<semaphore_mem>>) src(%dma_wait3A_112 : memref<16xi32, #tpu.memory_space<hbm>>) dst(%arg13 : memref<16xi32, #tpu.memory_space<vmem>>)
      tpu.yield
    }) : () -> ()
    "tpu.region"() ({
      %run_scoped3A = tpu.sem_alloc : memref<!tpu.dma_semaphore, #tpu.memory_space<semaphore_mem>>
      %dma_start3A_109 = arith.constant 0 : i32
      %dma_start3A_110 = arith.constant 0 : i32
      %dma_start3A_111 = tpu.memref_slice %arg10[%dma_start3A_109, %dma_start3A_110] : memref<128x128xf32, #tpu.memory_space<vmem>> -> memref<16x128xf32, #tpu.memory_space<vmem>>
      %dma_start3A_112 = arith.constant 0 : i32
      %dma_start3A_113 = arith.constant 0 : i32
      %dma_start3A_114 = tpu.memref_slice %arg7[%dma_start3A_112, %dma_start3A_113] : memref<10112x128xf32, #tpu.memory_space<vmem_shared>> -> memref<10112x128xf32, #tpu.memory_space<vmem_shared>>
      tpu.enqueue_indirect_dma source(%dma_start3A_111 : memref<16x128xf32, #tpu.memory_space<vmem>>) target(%dma_start3A_114 : memref<10112x128xf32, #tpu.memory_space<vmem_shared>>) offsets(%arg13 : memref<16xi32, #tpu.memory_space<vmem>>) semaphore(%run_scoped3A : memref<!tpu.dma_semaphore, #tpu.memory_space<semaphore_mem>>) {add = true}
      %dma_wait3A_115 = arith.constant 0 : i32
      %dma_wait3A_116 = arith.constant 0 : i32
      %dma_wait3A_117 = tpu.memref_slice %arg10[%dma_wait3A_115, %dma_wait3A_116] : memref<128x128xf32, #tpu.memory_space<vmem>> -> memref<16x128xf32, #tpu.memory_space<vmem>>
      %dma_wait3A_118 = arith.constant 0 : i32
      %dma_wait3A_119 = arith.constant 0 : i32
      %dma_wait3A_120 = tpu.memref_slice %arg7[%dma_wait3A_118, %dma_wait3A_119] : memref<10112x128xf32, #tpu.memory_space<vmem_shared>> -> memref<10112x128xf32, #tpu.memory_space<vmem_shared>>
      tpu.wait_indirect_dma semaphore(%run_scoped3A : memref<!tpu.dma_semaphore, #tpu.memory_space<semaphore_mem>>) src(%dma_wait3A_117 : memref<16x128xf32, #tpu.memory_space<vmem>>) dst(%dma_wait3A_120 : memref<10112x128xf32, #tpu.memory_space<vmem_shared>>)
      tpu.yield
    }) : () -> ()
    %barrier3A_88 = arith.constant 0 : index
    tpu.barrier barrier_id(%barrier3A_88)
    %add3A_89 = arith.constant 0 : i32
    %add3A_90 = arith.addi %mul3A_10, %add3A_89 : i32
    "tpu.region"() ({
      %run_scoped3A = tpu.sem_alloc : memref<!tpu.dma_semaphore, #tpu.memory_space<semaphore_mem>>
      %dma_start3A_109 = arith.constant 0 : i32
      %dma_start3A_110 = tpu.memref_slice %arg7[%add3A_90, %dma_start3A_109] : memref<10112x128xf32, #tpu.memory_space<vmem_shared>> -> memref<128x128xf32, #tpu.memory_space<vmem_shared>>
      %dma_start3A_111 = arith.constant 0 : i32
      %dma_start3A_112 = tpu.memref_slice %arg7[%add3A_90, %dma_start3A_111] : memref<10112x128xf32, #tpu.memory_space<vmem_shared>> -> memref<128x128xf32, #tpu.memory_space<vmem_shared>>
      tpu.enqueue_dma source(%dma_start3A_112 : memref<128x128xf32, #tpu.memory_space<vmem_shared>>) target(%arg10 : memref<128x128xf32, #tpu.memory_space<vmem>>) target_semaphore(%run_scoped3A : memref<!tpu.dma_semaphore, #tpu.memory_space<semaphore_mem>>)
      %dma_wait3A_113 = arith.constant 0 : i32
      %dma_wait3A_114 = tpu.memref_slice %arg7[%add3A_90, %dma_wait3A_113] : memref<10112x128xf32, #tpu.memory_space<vmem_shared>> -> memref<128x128xf32, #tpu.memory_space<vmem_shared>>
      %dma_wait3A_115 = arith.constant 0 : i32
      %dma_wait3A_116 = tpu.memref_slice %arg7[%add3A_90, %dma_wait3A_115] : memref<10112x128xf32, #tpu.memory_space<vmem_shared>> -> memref<128x128xf32, #tpu.memory_space<vmem_shared>>
      tpu.wait_dma2 semaphore(%run_scoped3A : memref<!tpu.dma_semaphore, #tpu.memory_space<semaphore_mem>>) src(%dma_wait3A_116 : memref<128x128xf32, #tpu.memory_space<vmem_shared>>) dst(%arg10 : memref<128x128xf32, #tpu.memory_space<vmem>>)
      tpu.yield
    }) : () -> ()
    %add3A_91 = arith.constant 0 : i32
    %add3A_92 = arith.addi %add3A_38, %add3A_91 : i32
    "tpu.region"() ({
      %run_scoped3A = tpu.sem_alloc : memref<!tpu.dma_semaphore, #tpu.memory_space<semaphore_mem>>
      %dma_start3A_109 = arith.constant 0 : i32
      %dma_start3A_110 = tpu.memref_slice %arg6[%add3A_92, %dma_start3A_109] : memref<20224x128xf32, #tpu.memory_space<hbm>> -> memref<128x128xf32, #tpu.memory_space<hbm>>
      %dma_start3A_111 = arith.constant 0 : i32
      %dma_start3A_112 = tpu.memref_slice %arg6[%add3A_92, %dma_start3A_111] : memref<20224x128xf32, #tpu.memory_space<hbm>> -> memref<128x128xf32, #tpu.memory_space<hbm>>
      tpu.enqueue_dma source(%arg10 : memref<128x128xf32, #tpu.memory_space<vmem>>) target(%dma_start3A_112 : memref<128x128xf32, #tpu.memory_space<hbm>>) target_semaphore(%run_scoped3A : memref<!tpu.dma_semaphore, #tpu.memory_space<semaphore_mem>>)
      %dma_wait3A_113 = arith.constant 0 : i32
      %dma_wait3A_114 = tpu.memref_slice %arg6[%add3A_92, %dma_wait3A_113] : memref<20224x128xf32, #tpu.memory_space<hbm>> -> memref<128x128xf32, #tpu.memory_space<hbm>>
      %dma_wait3A_115 = arith.constant 0 : i32
      %dma_wait3A_116 = tpu.memref_slice %arg6[%add3A_92, %dma_wait3A_115] : memref<20224x128xf32, #tpu.memory_space<hbm>> -> memref<128x128xf32, #tpu.memory_space<hbm>>
      tpu.wait_dma2 semaphore(%run_scoped3A : memref<!tpu.dma_semaphore, #tpu.memory_space<semaphore_mem>>) src(%arg10 : memref<128x128xf32, #tpu.memory_space<vmem>>) dst(%dma_wait3A_116 : memref<128x128xf32, #tpu.memory_space<hbm>>)
      tpu.yield
    }) : () -> ()
    %add3A_93 = arith.constant 128 : i32
    %add3A_94 = arith.addi %mul3A_10, %add3A_93 : i32
    "tpu.region"() ({
      %run_scoped3A = tpu.sem_alloc : memref<!tpu.dma_semaphore, #tpu.memory_space<semaphore_mem>>
      %dma_start3A_109 = arith.constant 0 : i32
      %dma_start3A_110 = tpu.memref_slice %arg7[%add3A_94, %dma_start3A_109] : memref<10112x128xf32, #tpu.memory_space<vmem_shared>> -> memref<128x128xf32, #tpu.memory_space<vmem_shared>>
      %dma_start3A_111 = arith.constant 0 : i32
      %dma_start3A_112 = tpu.memref_slice %arg7[%add3A_94, %dma_start3A_111] : memref<10112x128xf32, #tpu.memory_space<vmem_shared>> -> memref<128x128xf32, #tpu.memory_space<vmem_shared>>
      tpu.enqueue_dma source(%dma_start3A_112 : memref<128x128xf32, #tpu.memory_space<vmem_shared>>) target(%arg10 : memref<128x128xf32, #tpu.memory_space<vmem>>) target_semaphore(%run_scoped3A : memref<!tpu.dma_semaphore, #tpu.memory_space<semaphore_mem>>)
      %dma_wait3A_113 = arith.constant 0 : i32
      %dma_wait3A_114 = tpu.memref_slice %arg7[%add3A_94, %dma_wait3A_113] : memref<10112x128xf32, #tpu.memory_space<vmem_shared>> -> memref<128x128xf32, #tpu.memory_space<vmem_shared>>
      %dma_wait3A_115 = arith.constant 0 : i32
      %dma_wait3A_116 = tpu.memref_slice %arg7[%add3A_94, %dma_wait3A_115] : memref<10112x128xf32, #tpu.memory_space<vmem_shared>> -> memref<128x128xf32, #tpu.memory_space<vmem_shared>>
      tpu.wait_dma2 semaphore(%run_scoped3A : memref<!tpu.dma_semaphore, #tpu.memory_space<semaphore_mem>>) src(%dma_wait3A_116 : memref<128x128xf32, #tpu.memory_space<vmem_shared>>) dst(%arg10 : memref<128x128xf32, #tpu.memory_space<vmem>>)
      tpu.yield
    }) : () -> ()
    %add3A_95 = arith.constant 128 : i32
    %add3A_96 = arith.addi %add3A_38, %add3A_95 : i32
    "tpu.region"() ({
      %run_scoped3A = tpu.sem_alloc : memref<!tpu.dma_semaphore, #tpu.memory_space<semaphore_mem>>
      %dma_start3A_109 = arith.constant 0 : i32
      %dma_start3A_110 = tpu.memref_slice %arg6[%add3A_96, %dma_start3A_109] : memref<20224x128xf32, #tpu.memory_space<hbm>> -> memref<128x128xf32, #tpu.memory_space<hbm>>
      %dma_start3A_111 = arith.constant 0 : i32
      %dma_start3A_112 = tpu.memref_slice %arg6[%add3A_96, %dma_start3A_111] : memref<20224x128xf32, #tpu.memory_space<hbm>> -> memref<128x128xf32, #tpu.memory_space<hbm>>
      tpu.enqueue_dma source(%arg10 : memref<128x128xf32, #tpu.memory_space<vmem>>) target(%dma_start3A_112 : memref<128x128xf32, #tpu.memory_space<hbm>>) target_semaphore(%run_scoped3A : memref<!tpu.dma_semaphore, #tpu.memory_space<semaphore_mem>>)
      %dma_wait3A_113 = arith.constant 0 : i32
      %dma_wait3A_114 = tpu.memref_slice %arg6[%add3A_96, %dma_wait3A_113] : memref<20224x128xf32, #tpu.memory_space<hbm>> -> memref<128x128xf32, #tpu.memory_space<hbm>>
      %dma_wait3A_115 = arith.constant 0 : i32
      %dma_wait3A_116 = tpu.memref_slice %arg6[%add3A_96, %dma_wait3A_115] : memref<20224x128xf32, #tpu.memory_space<hbm>> -> memref<128x128xf32, #tpu.memory_space<hbm>>
      tpu.wait_dma2 semaphore(%run_scoped3A : memref<!tpu.dma_semaphore, #tpu.memory_space<semaphore_mem>>) src(%arg10 : memref<128x128xf32, #tpu.memory_space<vmem>>) dst(%dma_wait3A_116 : memref<128x128xf32, #tpu.memory_space<hbm>>)
      tpu.yield
    }) : () -> ()
    %add3A_97 = arith.constant 256 : i32
    %add3A_98 = arith.addi %mul3A_10, %add3A_97 : i32
    "tpu.region"() ({
      %run_scoped3A = tpu.sem_alloc : memref<!tpu.dma_semaphore, #tpu.memory_space<semaphore_mem>>
      %dma_start3A_109 = arith.constant 0 : i32
      %dma_start3A_110 = tpu.memref_slice %arg7[%add3A_98, %dma_start3A_109] : memref<10112x128xf32, #tpu.memory_space<vmem_shared>> -> memref<128x128xf32, #tpu.memory_space<vmem_shared>>
      %dma_start3A_111 = arith.constant 0 : i32
      %dma_start3A_112 = tpu.memref_slice %arg7[%add3A_98, %dma_start3A_111] : memref<10112x128xf32, #tpu.memory_space<vmem_shared>> -> memref<128x128xf32, #tpu.memory_space<vmem_shared>>
      tpu.enqueue_dma source(%dma_start3A_112 : memref<128x128xf32, #tpu.memory_space<vmem_shared>>) target(%arg10 : memref<128x128xf32, #tpu.memory_space<vmem>>) target_semaphore(%run_scoped3A : memref<!tpu.dma_semaphore, #tpu.memory_space<semaphore_mem>>)
      %dma_wait3A_113 = arith.constant 0 : i32
      %dma_wait3A_114 = tpu.memref_slice %arg7[%add3A_98, %dma_wait3A_113] : memref<10112x128xf32, #tpu.memory_space<vmem_shared>> -> memref<128x128xf32, #tpu.memory_space<vmem_shared>>
      %dma_wait3A_115 = arith.constant 0 : i32
      %dma_wait3A_116 = tpu.memref_slice %arg7[%add3A_98, %dma_wait3A_115] : memref<10112x128xf32, #tpu.memory_space<vmem_shared>> -> memref<128x128xf32, #tpu.memory_space<vmem_shared>>
      tpu.wait_dma2 semaphore(%run_scoped3A : memref<!tpu.dma_semaphore, #tpu.memory_space<semaphore_mem>>) src(%dma_wait3A_116 : memref<128x128xf32, #tpu.memory_space<vmem_shared>>) dst(%arg10 : memref<128x128xf32, #tpu.memory_space<vmem>>)
      tpu.yield
    }) : () -> ()
    %add3A_99 = arith.constant 256 : i32
    %add3A_100 = arith.addi %add3A_38, %add3A_99 : i32
    "tpu.region"() ({
      %run_scoped3A = tpu.sem_alloc : memref<!tpu.dma_semaphore, #tpu.memory_space<semaphore_mem>>
      %dma_start3A_109 = arith.constant 0 : i32
      %dma_start3A_110 = tpu.memref_slice %arg6[%add3A_100, %dma_start3A_109] : memref<20224x128xf32, #tpu.memory_space<hbm>> -> memref<128x128xf32, #tpu.memory_space<hbm>>
      %dma_start3A_111 = arith.constant 0 : i32
      %dma_start3A_112 = tpu.memref_slice %arg6[%add3A_100, %dma_start3A_111] : memref<20224x128xf32, #tpu.memory_space<hbm>> -> memref<128x128xf32, #tpu.memory_space<hbm>>
      tpu.enqueue_dma source(%arg10 : memref<128x128xf32, #tpu.memory_space<vmem>>) target(%dma_start3A_112 : memref<128x128xf32, #tpu.memory_space<hbm>>) target_semaphore(%run_scoped3A : memref<!tpu.dma_semaphore, #tpu.memory_space<semaphore_mem>>)
      %dma_wait3A_113 = arith.constant 0 : i32
      %dma_wait3A_114 = tpu.memref_slice %arg6[%add3A_100, %dma_wait3A_113] : memref<20224x128xf32, #tpu.memory_space<hbm>> -> memref<128x128xf32, #tpu.memory_space<hbm>>
      %dma_wait3A_115 = arith.constant 0 : i32
      %dma_wait3A_116 = tpu.memref_slice %arg6[%add3A_100, %dma_wait3A_115] : memref<20224x128xf32, #tpu.memory_space<hbm>> -> memref<128x128xf32, #tpu.memory_space<hbm>>
      tpu.wait_dma2 semaphore(%run_scoped3A : memref<!tpu.dma_semaphore, #tpu.memory_space<semaphore_mem>>) src(%arg10 : memref<128x128xf32, #tpu.memory_space<vmem>>) dst(%dma_wait3A_116 : memref<128x128xf32, #tpu.memory_space<hbm>>)
      tpu.yield
    }) : () -> ()
    %add3A_101 = arith.constant 384 : i32
    %add3A_102 = arith.addi %mul3A_10, %add3A_101 : i32
    "tpu.region"() ({
      %run_scoped3A = tpu.sem_alloc : memref<!tpu.dma_semaphore, #tpu.memory_space<semaphore_mem>>
      %dma_start3A_109 = arith.constant 0 : i32
      %dma_start3A_110 = tpu.memref_slice %arg7[%add3A_102, %dma_start3A_109] : memref<10112x128xf32, #tpu.memory_space<vmem_shared>> -> memref<128x128xf32, #tpu.memory_space<vmem_shared>>
      %dma_start3A_111 = arith.constant 0 : i32
      %dma_start3A_112 = tpu.memref_slice %arg7[%add3A_102, %dma_start3A_111] : memref<10112x128xf32, #tpu.memory_space<vmem_shared>> -> memref<128x128xf32, #tpu.memory_space<vmem_shared>>
      tpu.enqueue_dma source(%dma_start3A_112 : memref<128x128xf32, #tpu.memory_space<vmem_shared>>) target(%arg10 : memref<128x128xf32, #tpu.memory_space<vmem>>) target_semaphore(%run_scoped3A : memref<!tpu.dma_semaphore, #tpu.memory_space<semaphore_mem>>)
      %dma_wait3A_113 = arith.constant 0 : i32
      %dma_wait3A_114 = tpu.memref_slice %arg7[%add3A_102, %dma_wait3A_113] : memref<10112x128xf32, #tpu.memory_space<vmem_shared>> -> memref<128x128xf32, #tpu.memory_space<vmem_shared>>
      %dma_wait3A_115 = arith.constant 0 : i32
      %dma_wait3A_116 = tpu.memref_slice %arg7[%add3A_102, %dma_wait3A_115] : memref<10112x128xf32, #tpu.memory_space<vmem_shared>> -> memref<128x128xf32, #tpu.memory_space<vmem_shared>>
      tpu.wait_dma2 semaphore(%run_scoped3A : memref<!tpu.dma_semaphore, #tpu.memory_space<semaphore_mem>>) src(%dma_wait3A_116 : memref<128x128xf32, #tpu.memory_space<vmem_shared>>) dst(%arg10 : memref<128x128xf32, #tpu.memory_space<vmem>>)
      tpu.yield
    }) : () -> ()
    %add3A_103 = arith.constant 384 : i32
    %add3A_104 = arith.addi %add3A_38, %add3A_103 : i32
    "tpu.region"() ({
      %run_scoped3A = tpu.sem_alloc : memref<!tpu.dma_semaphore, #tpu.memory_space<semaphore_mem>>
      %dma_start3A_109 = arith.constant 0 : i32
      %dma_start3A_110 = tpu.memref_slice %arg6[%add3A_104, %dma_start3A_109] : memref<20224x128xf32, #tpu.memory_space<hbm>> -> memref<128x128xf32, #tpu.memory_space<hbm>>
      %dma_start3A_111 = arith.constant 0 : i32
      %dma_start3A_112 = tpu.memref_slice %arg6[%add3A_104, %dma_start3A_111] : memref<20224x128xf32, #tpu.memory_space<hbm>> -> memref<128x128xf32, #tpu.memory_space<hbm>>
      tpu.enqueue_dma source(%arg10 : memref<128x128xf32, #tpu.memory_space<vmem>>) target(%dma_start3A_112 : memref<128x128xf32, #tpu.memory_space<hbm>>) target_semaphore(%run_scoped3A : memref<!tpu.dma_semaphore, #tpu.memory_space<semaphore_mem>>)
      %dma_wait3A_113 = arith.constant 0 : i32
      %dma_wait3A_114 = tpu.memref_slice %arg6[%add3A_104, %dma_wait3A_113] : memref<20224x128xf32, #tpu.memory_space<hbm>> -> memref<128x128xf32, #tpu.memory_space<hbm>>
      %dma_wait3A_115 = arith.constant 0 : i32
      %dma_wait3A_116 = tpu.memref_slice %arg6[%add3A_104, %dma_wait3A_115] : memref<20224x128xf32, #tpu.memory_space<hbm>> -> memref<128x128xf32, #tpu.memory_space<hbm>>
      tpu.wait_dma2 semaphore(%run_scoped3A : memref<!tpu.dma_semaphore, #tpu.memory_space<semaphore_mem>>) src(%arg10 : memref<128x128xf32, #tpu.memory_space<vmem>>) dst(%dma_wait3A_116 : memref<128x128xf32, #tpu.memory_space<hbm>>)
      tpu.yield
    }) : () -> ()
    %add3A_105 = arith.constant 512 : i32
    %add3A_106 = arith.addi %mul3A_10, %add3A_105 : i32
    "tpu.region"() ({
      %run_scoped3A = tpu.sem_alloc : memref<!tpu.dma_semaphore, #tpu.memory_space<semaphore_mem>>
      %dma_start3A_109 = arith.constant 0 : i32
      %dma_start3A_110 = arith.constant 0 : i32
      %dma_start3A_111 = tpu.memref_slice %arg10[%dma_start3A_109, %dma_start3A_110] : memref<128x128xf32, #tpu.memory_space<vmem>> -> memref<120x128xf32, #tpu.memory_space<vmem>>
      %dma_start3A_112 = arith.constant 0 : i32
      %dma_start3A_113 = tpu.memref_slice %arg7[%add3A_106, %dma_start3A_112] : memref<10112x128xf32, #tpu.memory_space<vmem_shared>> -> memref<120x128xf32, #tpu.memory_space<vmem_shared>>
      %dma_start3A_114 = arith.constant 0 : i32
      %dma_start3A_115 = arith.constant 0 : i32
      %dma_start3A_116 = tpu.memref_slice %arg10[%dma_start3A_114, %dma_start3A_115] : memref<128x128xf32, #tpu.memory_space<vmem>> -> memref<120x128xf32, #tpu.memory_space<vmem>>
      %dma_start3A_117 = arith.constant 0 : i32
      %dma_start3A_118 = tpu.memref_slice %arg7[%add3A_106, %dma_start3A_117] : memref<10112x128xf32, #tpu.memory_space<vmem_shared>> -> memref<120x128xf32, #tpu.memory_space<vmem_shared>>
      tpu.enqueue_dma source(%dma_start3A_118 : memref<120x128xf32, #tpu.memory_space<vmem_shared>>) target(%dma_start3A_116 : memref<120x128xf32, #tpu.memory_space<vmem>>) target_semaphore(%run_scoped3A : memref<!tpu.dma_semaphore, #tpu.memory_space<semaphore_mem>>)
      %dma_wait3A_119 = arith.constant 0 : i32
      %dma_wait3A_120 = arith.constant 0 : i32
      %dma_wait3A_121 = tpu.memref_slice %arg10[%dma_wait3A_119, %dma_wait3A_120] : memref<128x128xf32, #tpu.memory_space<vmem>> -> memref<120x128xf32, #tpu.memory_space<vmem>>
      %dma_wait3A_122 = arith.constant 0 : i32
      %dma_wait3A_123 = tpu.memref_slice %arg7[%add3A_106, %dma_wait3A_122] : memref<10112x128xf32, #tpu.memory_space<vmem_shared>> -> memref<120x128xf32, #tpu.memory_space<vmem_shared>>
      %dma_wait3A_124 = arith.constant 0 : i32
      %dma_wait3A_125 = arith.constant 0 : i32
      %dma_wait3A_126 = tpu.memref_slice %arg10[%dma_wait3A_124, %dma_wait3A_125] : memref<128x128xf32, #tpu.memory_space<vmem>> -> memref<120x128xf32, #tpu.memory_space<vmem>>
      %dma_wait3A_127 = arith.constant 0 : i32
      %dma_wait3A_128 = tpu.memref_slice %arg7[%add3A_106, %dma_wait3A_127] : memref<10112x128xf32, #tpu.memory_space<vmem_shared>> -> memref<120x128xf32, #tpu.memory_space<vmem_shared>>
      tpu.wait_dma2 semaphore(%run_scoped3A : memref<!tpu.dma_semaphore, #tpu.memory_space<semaphore_mem>>) src(%dma_wait3A_128 : memref<120x128xf32, #tpu.memory_space<vmem_shared>>) dst(%dma_wait3A_126 : memref<120x128xf32, #tpu.memory_space<vmem>>)
      tpu.yield
    }) : () -> ()
    %add3A_107 = arith.constant 512 : i32
    %add3A_108 = arith.addi %add3A_38, %add3A_107 : i32
    "tpu.region"() ({
      %run_scoped3A = tpu.sem_alloc : memref<!tpu.dma_semaphore, #tpu.memory_space<semaphore_mem>>
      %dma_start3A_109 = arith.constant 0 : i32
      %dma_start3A_110 = arith.constant 0 : i32
      %dma_start3A_111 = tpu.memref_slice %arg10[%dma_start3A_109, %dma_start3A_110] : memref<128x128xf32, #tpu.memory_space<vmem>> -> memref<120x128xf32, #tpu.memory_space<vmem>>
      %dma_start3A_112 = arith.constant 0 : i32
      %dma_start3A_113 = tpu.memref_slice %arg6[%add3A_108, %dma_start3A_112] : memref<20224x128xf32, #tpu.memory_space<hbm>> -> memref<120x128xf32, #tpu.memory_space<hbm>>
      %dma_start3A_114 = arith.constant 0 : i32
      %dma_start3A_115 = tpu.memref_slice %arg6[%add3A_108, %dma_start3A_114] : memref<20224x128xf32, #tpu.memory_space<hbm>> -> memref<120x128xf32, #tpu.memory_space<hbm>>
      %dma_start3A_116 = arith.constant 0 : i32
      %dma_start3A_117 = arith.constant 0 : i32
      %dma_start3A_118 = tpu.memref_slice %arg10[%dma_start3A_116, %dma_start3A_117] : memref<128x128xf32, #tpu.memory_space<vmem>> -> memref<120x128xf32, #tpu.memory_space<vmem>>
      tpu.enqueue_dma source(%dma_start3A_118 : memref<120x128xf32, #tpu.memory_space<vmem>>) target(%dma_start3A_115 : memref<120x128xf32, #tpu.memory_space<hbm>>) target_semaphore(%run_scoped3A : memref<!tpu.dma_semaphore, #tpu.memory_space<semaphore_mem>>)
      %dma_wait3A_119 = arith.constant 0 : i32
      %dma_wait3A_120 = arith.constant 0 : i32
      %dma_wait3A_121 = tpu.memref_slice %arg10[%dma_wait3A_119, %dma_wait3A_120] : memref<128x128xf32, #tpu.memory_space<vmem>> -> memref<120x128xf32, #tpu.memory_space<vmem>>
      %dma_wait3A_122 = arith.constant 0 : i32
      %dma_wait3A_123 = tpu.memref_slice %arg6[%add3A_108, %dma_wait3A_122] : memref<20224x128xf32, #tpu.memory_space<hbm>> -> memref<120x128xf32, #tpu.memory_space<hbm>>
      %dma_wait3A_124 = arith.constant 0 : i32
      %dma_wait3A_125 = tpu.memref_slice %arg6[%add3A_108, %dma_wait3A_124] : memref<20224x128xf32, #tpu.memory_space<hbm>> -> memref<120x128xf32, #tpu.memory_space<hbm>>
      %dma_wait3A_126 = arith.constant 0 : i32
      %dma_wait3A_127 = arith.constant 0 : i32
      %dma_wait3A_128 = tpu.memref_slice %arg10[%dma_wait3A_126, %dma_wait3A_127] : memref<128x128xf32, #tpu.memory_space<vmem>> -> memref<120x128xf32, #tpu.memory_space<vmem>>
      tpu.wait_dma2 semaphore(%run_scoped3A : memref<!tpu.dma_semaphore, #tpu.memory_space<semaphore_mem>>) src(%dma_wait3A_128 : memref<120x128xf32, #tpu.memory_space<vmem>>) dst(%dma_wait3A_125 : memref<120x128xf32, #tpu.memory_space<hbm>>)
      tpu.yield
    }) : () -> ()
    return
  }
}

</mosaic_0001>

<sc_bundles>
// kernel: _sc_aggregate.3.cloned.1.call-start
scs
__scs_entry_jumppad:
0x0: {  	(pc) =	sbr.rel $0x88, $3  }
0x1: {  	(tag) =	ssettag $0x0;
	lr =	simm.s32 $0x1  }
0x2: {  	[smem:$0x3F9E] =	sst lr;
	_ =	strace $0xD0000000  }
0x3: {  	_ = 	snop  }
0x4: {  	_ = 	snop  }
0x5: {  	_ = 	snop  }
0x6: {  	_ = 	snop  }
0x7: {  	_ = 	snop  }
__scs_overlays_trampoline_lowered:
0x8: {  	[smem:$0x3FAD] =	sst s0  }
0x9: {  	[smem:$0x3FAE] =	sst s1  }
0xa: {  	[smem:$0x3FAF] =	sst s2  }
0xb: {  	[smem:$0x3FB0] =	sst s3  }
0xc: {  	[smem:$0x3FB1] =	sst s4  }
0xd: {  	[smem:$0x3FB2] =	sst s5  }
0xe: {  	[smem:$0x3FB3] =	sst s6  }
0xf: {  	[smem:$0x3FB4] =	sst s7  }
0x10: {  	[smem:$0x3FB5] =	sst s8  }
0x11: {  	[smem:$0x3FB6] =	sst s9;
	s0 =	simm.s32 @!p0 $0x0  }
0x12: {  	s1 =	sld [smem:$0x3F9C];
	s0 =	simm.s32 @p0 $0x1  }
0x13: {  	[smem:$0x3FB7] =	sst s0;
	s0 =	simm.s32 @!p1 $0x0  }
0x14: {  	s2 =	sld [smem:$0x3F9B];
	s0 =	simm.s32 @p1 $0x1  }
0x15: {  	[smem:$0x3FB8] =	sst s0;
	s0 =	simm.s32 @!p2 $0x0  }
0x16: {  	s3 =	sld [smem:$0x3FDB];
	s0 =	simm.s32 @p2 $0x1  }
0x17: {  	s4 =	simm.s32 $0x1BF5;
	[smem:$0x3FBA] =	sst s0  }
0x18: {  	s0 =	sld [smem:$0x3F9D];
	_ =	swait.ge [sflag:s4], $0x0  }
0x19: {  	s7 =	sld [smem:$0x3F9E]  }
0x1a: {  	s8 =	sadd.s32 $0xFFFFE003, lr  }
0x1b: {  	s9 =	sadd.s32 $0xFFFFFEF7, lr;
	s5 =	simm.s32 $0xFFFFFFFF;
	p2 =	slt.u32 s8, $0xFFFFF086  }
0x1c: {  	p1 =	slt.u32 s9, $0xF7A;
	s5 =	simm.s32 @!p2 $0x0  }
0x1d: {  	s5 =	simm.s32 @p1 $0x1;
	p0 =	seq.s32 s7, s2  }
0x1e: {  	s7 =	smul.u32 @!p0 $0xF7A, s2;
	p2 =	seq.s32 @!p0 s5, $0x0  }
0x1f: {  	s9 =	smul.u32 $0xF7A, s1;
	s8 =	simm.s32 @!p0 $0x1BF5;
	p2 =	por !p2, p0  }
0x20: {  	[sflag:s8] =	ssyncset.s32 @!p0 $0xFFFFF086;
	s6 =	sadd.s32 @!p0 s3, s7;
	s7 =	simm.s32 @!p0 $0x108  }
0x21: {  	s3 =	sadd.s32 s3, s9;
	s6 =	sadd.s32 @!p0 $0x88, s6;
	s7 =	simm.s32 @p2 $0x1082  }
0x22: {  	[simem:s7], [sflag:s8] =	dma.local @!p0 [hbm:s6], $0xF7A  }
0x23: {  	s9 =	sor.u32 $0xD0000000, s2;
	s6 =	simm.s32 $0x108;
	_ =	swait.ge @!p0 [sflag:s8], $0x0  }
0x24: {  	s3 =	sadd.s32 $0x88, s3;
	s6 =	simm.s32 @!p1 $0x1082;
	[sflag:s4] =	ssyncset.s32 $0xFFFFF086  }
0x25: {  	[simem:s6], [sflag:s4] =	dma.local [hbm:s3], $0xF7A  }
0x26: {  	[smem:$0x3F9E] =	sst s1;
	(tag) =	ssettag s2;
	_ =	strace s9  }
0x27: {  	s1 =	sld [smem:$0x3FAE]  }
0x28: {  	s2 =	sld [smem:$0x3FAF]  }
0x29: {  	s4 =	sld [smem:$0x3FB1]  }
0x2a: {  	p0 =	seq.s32 s5, $0x0;
	s5 =	sld [smem:$0x3FB2]  }
0x2b: {  	s6 =	sld [smem:$0x3FB3]  }
0x2c: {  	s7 =	sld [smem:$0x3FB4]  }
0x2d: {  	s3 =	simm.s32 $0x108;
	s8 =	sld [smem:$0x3FB5]  }
0x2e: {  	s3 =	simm.s32 @!p0 $0x1082;
	s9 =	sld [smem:$0x3FB6]  }
0x2f: {  	lr =	sadd.s32 s0, s3;
	s0 =	sld [smem:$0x3FAD]  }
0x30: {  	s3 =	sld [smem:$0x3FB0]  }
0x31: {  	[smem:$0x3FB9] =	sst s10  }
0x32: {  	s10 =	sld [smem:$0x3FB7];
	_ =	sdelay $0x3  }
0x33: {  	p0 =	seq.s32 s10, $0x1;
	s10 =	sld [smem:$0x3FB9];
	_ =	sdelay $0x3  }
0x34: {  	[smem:$0x3FB9] =	sst s10  }
0x35: {  	s10 =	sld [smem:$0x3FB8];
	_ =	sdelay $0x3  }
0x36: {  	p1 =	seq.s32 s10, $0x1;
	s10 =	sld [smem:$0x3FB9];
	_ =	sdelay $0x3  }
0x37: {  	[smem:$0x3FB9] =	sst s10  }
0x38: {  	s10 =	sld [smem:$0x3FBA]  }
0x39: {  	_ = 	snop;
	(pc) =	sbr.ind lr, $3  }
0x3a: {  	_ = 	snop  }
0x3b: {  	_ = 	snop  }
0x3c: {  	p2 =	seq.s32 s10, $0x1;
	s10 =	sld [smem:$0x3FB9]  }
0x3d: {  	_ =	shalt  }
0x3e: {  	_ =	shalt  }
0x3f: {  	_ =	shalt  }
0x40: {  	_ =	shalt  }
0x41: {  	_ =	shalt  }
0x42: {  	_ =	shalt  }
0x43: {  	_ =	shalt  }
0x44: {  	_ =	shalt  }
0x45: {  	_ =	shalt  }
0x46: {  	_ =	shalt  }
0x47: {  	_ =	shalt  }
0x48: {  	_ =	shalt  }
0x49: {  	_ =	shalt  }
0x4a: {  	_ =	shalt  }
0x4b: {  	_ =	shalt  }
0x4c: {  	_ =	shalt  }
0x4d: {  	_ =	shalt  }
0x4e: {  	_ =	shalt  }
0x4f: {  	_ =	shalt  }
0x50: {  	_ =	shalt  }
0x51: {  	_ =	shalt  }
0x52: {  	_ =	shalt  }
0x53: {  	_ =	shalt  }
0x54: {  	_ =	shalt  }
0x55: {  	_ =	shalt  }
0x56: {  	_ =	shalt  }
0x57: {  	_ =	shalt  }
0x58: {  	_ =	shalt  }
0x59: {  	_ =	shalt  }
0x5a: {  	_ =	shalt  }
0x5b: {  	_ =	shalt  }
0x5c: {  	_ =	shalt  }
0x5d: {  	_ =	shalt  }
0x5e: {  	_ =	shalt  }
0x5f: {  	_ =	shalt  }
0x60: {  	_ =	shalt  }
0x61: {  	_ =	shalt  }
0x62: {  	_ =	shalt  }
0x63: {  	_ =	shalt  }
0x64: {  	_ =	shalt  }
0x65: {  	_ =	shalt  }
0x66: {  	_ =	shalt  }
0x67: {  	_ =	shalt  }
0x68: {  	_ =	shalt  }
0x69: {  	_ =	shalt  }
0x6a: {  	_ =	shalt  }
0x6b: {  	_ =	shalt  }
0x6c: {  	_ =	shalt  }
0x6d: {  	_ =	shalt  }
0x6e: {  	_ =	shalt  }
0x6f: {  	_ =	shalt  }
0x70: {  	_ =	shalt  }
0x71: {  	_ =	shalt  }
0x72: {  	_ =	shalt  }
0x73: {  	_ =	shalt  }
0x74: {  	_ =	shalt  }
0x75: {  	_ =	shalt  }
0x76: {  	_ =	shalt  }
0x77: {  	_ =	shalt  }
0x78: {  	_ =	shalt  }
0x79: {  	_ =	shalt  }
0x7a: {  	_ =	shalt  }
0x7b: {  	_ =	shalt  }
0x7c: {  	_ =	shalt  }
0x7d: {  	_ =	shalt  }
0x7e: {  	_ =	shalt  }
0x7f: {  	_ =	shalt  }
0x80: {  	_ =	shalt  }
0x81: {  	_ =	shalt  }
0x82: {  	_ =	shalt  }
0x83: {  	_ =	shalt  }
0x84: {  	_ =	shalt  }
0x85: {  	_ =	shalt  }
0x86: {  	_ =	shalt  }
0x87: {  	_ =	shalt  }
.Lfunc_end0:
.L_simem_size_0:
called_computation_lowered:
.L_overlay_start_0:
0x88: {  	s2 =	sld [smem:$0x3FD9]  }
0x89: {  	s3 =	sld [smem:$0x3FFE];
	_ =	sdelay $0x1  }
0x8a: {  	s1 =	srdreg.scid  }
0x8b: {  	s0 =	sand.u32 $0x1, s1  }
0x8c: {  	s15 =	sshll.u32 s0, $0xA;
	s2 =	sadd.s32 s3, s2  }
0x8d: {  	s2 =	sadd.s32 s2, s15  }
0x8e: {  	[smem:$0x3FC5] =	sst s2  }
0x8f: {  	_ = 	snop  }
0x90: {  	s2 =	sld [smem:$0x3FD0]  }
0x91: {  	s16 =	sld [smem:$0x3FC9]  }
0x92: {  	s4 =	sld [smem:$0x3FC8]  }
0x93: {  	s6 =	simm.s32 $0xA;
	s7 =	simm.s32 $0x10;
	s5 =	sld [smem:$0x3FC7]  }
0x94: {  	[smem:s7], [sflag:s6] =	dma.local [hbm:s2], $0x1  }
0x95: {  	_ =	swait.eq [sflag:s6], $0x1  }
0x96: {  	[sflag:s6] =	ssyncset.done $0x0  }
0x97: {  	s17 =	sld [smem:$0x10];
	[sflag:s6] =	ssyncadd.s32 $0xFFFFFFFF  }
0x98: {  	s18 =	sld [smem:$0x11];
	(tm) =	ssettm $0x1  }
0x99: {  	s19 =	sld [smem:$0x3FFB];
	_ =	sdelay $0x3  }
0x9a: {  	_ =	strace s19  }
0x9b: {  	s7 =	sld [smem:$0x3FFC];
	_ =	sdelay $0x3  }
0x9c: {  	_ =	strace s7  }
0x9d: {  	s7 =	sld [smem:$0x3FFD];
	_ =	sdelay $0x3  }
0x9e: {  	_ =	strace s7  }
0x9f: {  	_ =	strace $0x8FFFFFFF  }
0xa0: {  	s20 =	sld [smem:$0x3FDB];
	_ =	sdelay $0x1  }
0xa1: {  	s8 =	simm.s32 $_scs_section_size  }
0xa2: {  	s9 =	simm.s32 $_size__tile_overlayer_lowered;
	s10 =	simm.s32 $_tile_overlayer_lowered  }
0xa3: {  	s23 =	simm.s32 $0x1BFF;
	s22 =	sshll.u32 s10, $0x1;
	s7 =	sadd.s32 s8, s20  }
0xa4: {  	s11 =	simm.s32 $0x0;
	s21 =	sshll.u32 s9, $0x1;
	s9 =	sadd.s32 s22, s7  }
0xa5: {  	[timem:s11], [sflag:s23] =	dma.local [hbm:s9], s21  }
0xa6: {  	_ =	swait.ge [sflag:s23], s21  }
0xa7: {  	s8 =	ssub.s32 $0x0, s21;
	[sflag:s23] =	ssyncset.done $0x0  }
0xa8: {  	[sflag:s23] =	ssyncadd.s32 s8;
	_ =	sdelay $0x1  }
0xa9: {  	s24 =	simm.s32 $0x1B8B  }
0xaa: {  	_ =	swait.ge [sflag:s24], $0x1  }
0xab: {  	[sflag:s24] =	ssyncset.done $0x0  }
0xac: {  	s25 =	simm.s32 $0x1B8E;
	[sflag:s24] =	ssyncadd.s32 $0xFFFFFFFF  }
0xad: {  	s26 =	simm.s32 $execute0_lowered;
	[smem:$0x3FD2] =	sst s25  }
0xae: {  	s8 =	sshll.u32 s26, $0x1;
	_ =	strace $0x80000046;
	[dreg:$0x1] =	wrdreg $0xFFFFFFFF  }
0xaf: {  	s28 =	simm.s32 $_size_execute0_lowered;
	s7 =	sadd.s32 s7, s8;
	[dreg:$0x0] =	wrdreg $0x0  }
0xb0: {  	s8 =	sshll.u32 s28, $0x1;
	[dreg:$0x2] =	wrdreg s7  }
0xb1: {  	[dreg:$0x3] =	wrdreg s8  }
0xb2: {  	[dreg:$0x4] =	wrdreg $0xC0  }
0xb3: {  	_ =	task [dreg:s11], $0x5FFFF  }
0xb4: {  	[dreg:$0x1] =	wrdreg $0xFFFFFFFF  }
0xb5: {  	[dreg:$0x0] =	wrdreg $0x60  }
0xb6: {  	[dreg:$0x2] =	wrdreg s16  }
0xb7: {  	[dreg:$0x3] =	wrdreg s4  }
0xb8: {  	[dreg:$0x4] =	wrdreg s5  }
0xb9: {  	[dreg:$0x5] =	wrdreg s17  }
0xba: {  	[dreg:$0x6] =	wrdreg s18  }
0xbb: {  	[dreg:$0x7] =	wrdreg $0x0  }
0xbc: {  	[dreg:$0x8] =	wrdreg $0x9  }
0xbd: {  	_ =	task.clear_ibuf [dreg:s11], $0x9FFFF;
	_ =	strace $0x90000046  }
0xbe: {  	s29 =	simm.s32 $0x9;
	_ =	strace $0x80000048  }
0xbf: {  	_ =	swait.ge [sflag:s29], $0x1  }
0xc0: {  	[sflag:s29] =	ssyncadd.s32 $0xFFFFFFFF  }
0xc1: {  	_ =	strace $0x90000048  }
0xc2: {  	_ =	sfence  }
0xc3: {  	s30 =	sld [smem:$0x0];
	_ =	sdelay $0x2  }
0xc4: {  	s31 =	sshll.u32 s1, $0xD;
	s1 =	sshrl.u32 s1, $0x2  }
0xc5: {  	s3 =	sand.u32 $0x4000, s31;
	s1 =	sadd.s32 s1, s30  }
0xc6: {  	s0 =	sor.u32 s3, s0;
	s1 =	sshll.u32 s1, $0x11  }
0xc7: {  	s0 =	sor.u32 s1, s0  }
0xc8: {  	s0 =	sadd.s32 $0x8F2B, s0  }
0xc9: {  	[sflag:s0] =	ssyncadd.remote.s32 $0x1  }
0xca: {  	_ =	sfence.sel $0xFFFF  }
0xcb: {  	[dreg:$0x0] =	wrdreg $0xFFFFFFFF;
	(pc) =	sbr.abs _section_cstart, $3  }
0xcc: {  	[dreg:$0x1] =	wrdreg $0xFFFFFFFF  }
0xcd: {  	_ =	task.clear_ibuf [dreg:s11], $0x2FFFF;
	_ =	strace $0x9FFFFFFF  }
0xce: {  	(tm) =	ssettm $0x7FFFFFFF  }
0xcf: {  	_ =	shalt  }
tec
execute0_lowered:
.L_overlay_start_1:
0x0: {  	(tag) =	ssettag $0x1  }
0x1: {  	s1 =	rddreg [dreg:$0x0]  }
0x2: {  	s0 =	rddreg [dreg:$0x1]  }
0x3: {  	s3 =	rddreg [dreg:$0x2]  }
0x4: {  	s8 =	rddreg [dreg:$0x3]  }
0x5: {  	s10 =	rddreg [dreg:$0x4]  }
0x6: {  	s2 =	rddreg [dreg:$0x5];
	s4 =	simm.s32 $0x0;
	s5 =	srdreg.scid  }
0x7: {  	s16 =	stileid.u32;
	s28 =	simm.s32 $0x13E00;
	s29 =	simm.s32 $0x3  }
0x8: {  	s30 =	simm.s32 $0x13C00;
	s31 =	simm.s32 $0x13D00;
	s6 =	smul.u32 $0x4F000, s16  }
0x9: {  	[smem:$0x7FF] =	sst s4;
	s11 =	sand.u32 $0x1, s5;
	s9 =	smul.u32 $0x278, s16  }
0xa: {  	s21 =	sshll.u32 s16, $0x1;
	s16 =	smul.u32 $0x4E20, s16;
	_ =	strace $0x80000047  }
0xb: {  	s5 =	sor.u32 s11, s21;
	s7 =	ssub.s32 $0x2, s11;
	s14 =	smul.u32 $0x2780, s11  }
0xc: {  	s6 =	sshrl.u32 s6, $0x2;
	s12 =	smul.u32 $0x2710, s5;
	s13 =	sshrl.u32 s7, $0x1  }
0xd: {  	s11 =	smul.u32 $0x2710, s11;
	s5 =	sadd.s32 s6, s2;
	s13 =	ssub.s32 s7, s13  }
0xe: {  	s14 =	sadd.s32 s9, s14;
	s6 =	sadd.s32 $0x4000, s5;
	s12 =	sshrl.u32 s12, $0x3  }
0xf: {  	s7 =	sadd.s32 $0x8000, s5;
	s23 =	sshll.u32 s14, $0x4;
	s12 =	sadd.s32 $0x4E0, s12  }
0x10: {  	s14 =	sadd.s32 s8, s23;
	s24 =	sadd.s32 $0x800, s23;
	s15 =	sadd.s32 $0x1000, s23  }
0x11: {  	s26 =	sadd.s32 $0x1800, s23;
	s20 =	sadd.s32 s10, s23;
	[dreg:$0x8] =	wrdreg s14  }
0x12: {  	s18 =	sadd.s32 $0x2000, s23;
	s22 =	sadd.s32 s0, s12;
	[dreg:$0xd] =	wrdreg s20  }
0x13: {  	s23 =	sadd.s32 s11, s16;
	s17 =	sadd.s32 s8, s24;
	[dreg:$0x7] =	wrdreg s22  }
0x14: {  	s11 =	simm.s32 $0x1;
	s25 =	sadd.s32 s8, s15;
	[dreg:$0x9] =	wrdreg s17  }
0x15: {  	s9 =	sadd.s32 s3, s12;
	s19 =	sadd.s32 s8, s26;
	[dreg:$0xa] =	wrdreg s25  }
0x16: {  	s8 =	sadd.s32 s8, s18;
	s21 =	sadd.s32 s10, s24;
	[dreg:$0xb] =	wrdreg s19  }
0x17: {  	s24 =	sadd.s32 s10, s26;
	s26 =	smax.u32 s13, $0x1;
	[dreg:$0xc] =	wrdreg s8  }
0x18: {  	s12 =	simm.s32 $0x2;
	s14 =	simm.s32 $0x1BE80;
	[dreg:$0xe] =	wrdreg s21  }
0x19: {  	s22 =	sadd.s32 s10, s15;
	[dreg:$0x10] =	wrdreg s24;
	s25 =	sshrl.u32 s23, $0x3  }
0x1a: {  	s8 =	sadd.s32 $0x80, s23;
	s10 =	sadd.s32 s10, s18;
	[dreg:$0x12] =	wrdreg s26  }
0x1b: {  	s24 =	sadd.s32 $0xC000, s5;
	s26 =	sadd.s32 $0x10000, s5;
	[dreg:$0xf] =	wrdreg s22  }
0x1c: {  	s15 =	simm.s32 $0x10;
	s17 =	simm.s32 $0x0;
	[dreg:$0x11] =	wrdreg s10  }
0x1d: {  	s20 =	sadd.s32 s25, s3;
	s8 =	sshrl.u32 s8, $0x3;
	s21 =	sadd.s32 s25, s0  }
0x1e: {  	s10 =	simm.s32 $0x17E00;
	s22 =	sadd.s32 s8, s3;
	s23 =	sadd.s32 s8, s0  }
0x1f: {  	v0 =	vimm.f32 $0.0e+00;
	v1 =	vimm.f32 $1.000000000e+00;
	s0 =	simm.s32 $0x13C80;
	s3 =	simm.s32 $0x13D80;
	s8 =	simm.s32 $0x80  }
.LBB2_1:
0x20: {  	s18 =	simm.s32 $0x0;
	s19 =	simm.s32 $0x200  }
.LBB2_2:
0x21: {  	p0 =	sne.s32 s19, $0xFE00;
	[tilespmem:s18+$0x13E70] =	vst v0  }
0x22: {  	[tilespmem:s18+$0x13E00] =	vst v0  }
0x23: {  	[tilespmem:s18+$0x13E10] =	vst v0  }
.Ltmp0:
0x24: {  	[tilespmem:s18+$0x13E20] =	vst v0;
	(pc) =	sbr.rel @p0 .LBB2_2-.Ltmp0, $4  }
0x25: {  	[tilespmem:s18+$0x13E30] =	vst v0  }
0x26: {  	[tilespmem:s18+$0x13E40] =	vst v0  }
0x27: {  	[tilespmem:s18+$0x13E50] =	vst v0  }
0x28: {  	[tilespmem:s18+$0x13E60] =	vst v0;
	s18 =	sshra.s32 s19, $0x2;
	s19 =	sadd.s32 $0x200, s19  }
0x29: {  	[tilespmem:s18+$0x13E70] =	vst v0  }
0x2a: {  	[tilespmem:s18+$0x13E00] =	vst v0  }
0x2b: {  	[tilespmem:s18+$0x13E10] =	vst v0  }
0x2c: {  	[tilespmem:s18+$0x13E20] =	vst v0  }
0x2d: {  	[tilespmem:s18+$0x13E30] =	vst v0  }
0x2e: {  	[tilespmem:s18+$0x13E40] =	vst v0  }
0x2f: {  	[tilespmem:s18+$0x13E50] =	vst v0  }
0x30: {  	[tilespmem:s18+$0x13E60] =	vst v0  }
0x31: {  	[spmem:s5] =	stream.linear.scatter [tilespmem:s28], [sflag:$0x3], $0x4000, $0x38;
	[tilespmem:$0x1C700] =	vst v63  }
0x32: {  	_ =	swait.ge [sflag:s29], $0x4000  }
0x33: {  	[sflag:s29] =	ssyncset.done $0x0  }
0x34: {  	[sflag:s29] =	ssyncadd.s32 $0xFFFFC000  }
0x35: {  	[spmem:s6] =	stream.linear.scatter [tilespmem:s28], [sflag:$0x3], $0x4000, $0x38;
	[tilespmem:$0x1C700] =	vst v63  }
0x36: {  	_ =	swait.ge [sflag:s29], $0x4000  }
0x37: {  	[sflag:s29] =	ssyncset.done $0x0  }
0x38: {  	[sflag:s29] =	ssyncadd.s32 $0xFFFFC000  }
0x39: {  	[spmem:s7] =	stream.linear.scatter [tilespmem:s28], [sflag:$0x3], $0x4000, $0x38;
	[tilespmem:$0x1C700] =	vst v63  }
0x3a: {  	_ =	swait.ge [sflag:s29], $0x4000  }
0x3b: {  	[sflag:s29] =	ssyncset.done $0x0  }
0x3c: {  	[sflag:s29] =	ssyncadd.s32 $0xFFFFC000  }
0x3d: {  	[spmem:s24] =	stream.linear.scatter [tilespmem:s28], [sflag:$0x3], $0x4000, $0x38;
	[tilespmem:$0x1C700] =	vst v63  }
0x3e: {  	_ =	swait.ge [sflag:s29], $0x4000  }
0x3f: {  	[sflag:s29] =	ssyncset.done $0x0  }
0x40: {  	[sflag:s29] =	ssyncadd.s32 $0xFFFFC000  }
0x41: {  	[spmem:s26] =	stream.linear.scatter [tilespmem:s28], [sflag:$0x3], $0x3C00, $0x38;
	[tilespmem:$0x1C700] =	vst v63  }
0x42: {  	_ =	swait.ge [sflag:s29], $0x3C00  }
0x43: {  	[sflag:s29] =	ssyncset.done $0x0  }
0x44: {  	[sflag:s29] =	ssyncadd.s32 $0xFFFFC400  }
0x45: {  	s13 =	sadd.s32 $0x0, s21;
	[bflag:$0x0] =	sbarrier.arrive $0xFFFF  }
0x46: {  	[tilespmem:s30], [sflag:$0x3] =	stream.linear.gather [hbm4b:s13+s4], $0x80, $0x38;
	[tilespmem:$0x1C700] =	vst v63  }
0x47: {  	_ =	swait.ge [sflag:s29], $0x80  }
0x48: {  	[sflag:s29] =	ssyncset.done $0x0  }
0x49: {  	s16 =	sadd.s32 $0x0, s20;
	[sflag:s29] =	ssyncadd.s32 $0xFFFFFF80  }
0x4a: {  	[tilespmem:s31], [sflag:$0x3] =	stream.linear.gather [hbm4b:s16+s4], $0x80, $0x38;
	[tilespmem:$0x1C700] =	vst v63  }
0x4b: {  	_ =	swait.ge [sflag:s29], $0x80  }
0x4c: {  	[sflag:s29] =	ssyncset.done $0x0  }
0x4d: {  	s19 =	sadd.s32 $0x0, s23;
	[sflag:s29] =	ssyncadd.s32 $0xFFFFFF80  }
0x4e: {  	[tilespmem:s0], [sflag:$0x3] =	stream.linear.gather [hbm4b:s19+s4], $0x80, $0x38;
	[tilespmem:$0x1C700] =	vst v63  }
0x4f: {  	_ =	swait.ge [sflag:s29], $0x80  }
0x50: {  	[sflag:s29] =	ssyncset.done $0x0  }
0x51: {  	s25 =	sadd.s32 $0x0, s22;
	[sflag:s29] =	ssyncadd.s32 $0xFFFFFF80  }
0x52: {  	[tilespmem:s3], [sflag:$0x3] =	stream.linear.gather [hbm4b:s25+s4], $0x80, $0x38;
	[tilespmem:$0x1C700] =	vst v63  }
0x53: {  	_ =	swait.ge [sflag:s29], $0x80  }
0x54: {  	[sflag:s29] =	ssyncset.done $0x0  }
0x55: {  	[sflag:s29] =	ssyncadd.s32 $0xFFFFFF80  }
0x56: {  	[tilespmem:s28], [sflag:$0x1] =	stream.indirect.gather [hbm4b:s1+s8], $0x80, s30, s8, $0xb8;
	[tilespmem:$0x1C700] =	vst v63  }
0x57: {  	_ = 	snop  }
0x58: {  	[tilespmem:s10], [sflag:$0x2] =	stream.indirect.gather [hbm4b:s1+s8], $0x80, s0, s8, $0xb8;
	[tilespmem:$0x1C700] =	vst v63  }
0x59: {  	_ =	swait.ge [sflag:s11], $0x4000  }
0x5a: {  	[sflag:s11] =	ssyncset.done $0x0  }
0x5b: {  	[sflag:s11] =	ssyncadd.s32 $0xFFFFC000  }
0x5c: {  	[spmem:s2] =	stream.indirect.scatter.add.f32 [tilespmem:s28], [sflag:$0x3], $0x80, s31, s8, $0xb8;
	[tilespmem:$0x1C700] =	vst v63  }
0x5d: {  	_ =	swait.ge [sflag:s29], $0x4000  }
0x5e: {  	[sflag:s29] =	ssyncset.done $0x0  }
0x5f: {  	[sflag:s29] =	ssyncadd.s32 $0xFFFFC000  }
0x60: {  	_ =	swait.ge [sflag:s12], $0x4000  }
0x61: {  	[sflag:s12] =	ssyncset.done $0x0  }
0x62: {  	[sflag:s12] =	ssyncadd.s32 $0xFFFFC000  }
0x63: {  	[spmem:s2] =	stream.indirect.scatter.add.f32 [tilespmem:s10], [sflag:$0x3], $0x80, s3, s8, $0xb8;
	[tilespmem:$0x1C700] =	vst v63  }
0x64: {  	_ =	swait.ge [sflag:s29], $0x4000  }
0x65: {  	s18 =	simm.s32 $0x20;
	s19 =	simm.s32 $0x40;
	[sflag:s29] =	ssyncset.done $0x0  }
.LBB2_4:
0x66: {  	s13 =	sadd.s32 s18, s21  }
0x67: {  	[sflag:s29] =	ssyncadd.s32 $0xFFFFC000;
	s16 =	smov.u32 s19;
	s25 =	sadd.s32 $0x20, s19  }
0x68: {  	[tilespmem:s30], [sflag:$0x3] =	stream.linear.gather [hbm4b:s13+s4], $0x80, $0x38;
	[tilespmem:$0x1C700] =	vst v63  }
0x69: {  	p0 =	sne.s32 s19, $0x4C0;
	_ =	swait.ge [sflag:s29], $0x80  }
0x6a: {  	[sflag:s29] =	ssyncset.done $0x0  }
0x6b: {  	s13 =	sadd.s32 s18, s20;
	[sflag:s29] =	ssyncadd.s32 $0xFFFFFF80  }
0x6c: {  	[tilespmem:s31], [sflag:$0x3] =	stream.linear.gather [hbm4b:s13+s4], $0x80, $0x38;
	[tilespmem:$0x1C700] =	vst v63  }
0x6d: {  	_ =	swait.ge [sflag:s29], $0x80  }
0x6e: {  	[sflag:s29] =	ssyncset.done $0x0  }
0x6f: {  	s13 =	sadd.s32 s18, s23;
	[sflag:s29] =	ssyncadd.s32 $0xFFFFFF80  }
0x70: {  	[tilespmem:s0], [sflag:$0x3] =	stream.linear.gather [hbm4b:s13+s4], $0x80, $0x38;
	[tilespmem:$0x1C700] =	vst v63  }
0x71: {  	_ =	swait.ge [sflag:s29], $0x80  }
0x72: {  	[sflag:s29] =	ssyncset.done $0x0  }
0x73: {  	s13 =	sadd.s32 s18, s22;
	s18 =	smov.u32 s16;
	[sflag:s29] =	ssyncadd.s32 $0xFFFFFF80  }
0x74: {  	[tilespmem:s3], [sflag:$0x3] =	stream.linear.gather [hbm4b:s13+s4], $0x80, $0x38;
	[tilespmem:$0x1C700] =	vst v63  }
0x75: {  	_ =	swait.ge [sflag:s29], $0x80  }
0x76: {  	[sflag:s29] =	ssyncset.done $0x0  }
0x77: {  	[sflag:s29] =	ssyncadd.s32 $0xFFFFFF80  }
0x78: {  	[tilespmem:s28], [sflag:$0x1] =	stream.indirect.gather [hbm4b:s1+s8], $0x80, s30, s8, $0xb8;
	[tilespmem:$0x1C700] =	vst v63  }
0x79: {  	_ = 	snop  }
0x7a: {  	[tilespmem:s10], [sflag:$0x2] =	stream.indirect.gather [hbm4b:s1+s8], $0x80, s0, s8, $0xb8;
	[tilespmem:$0x1C700] =	vst v63  }
0x7b: {  	_ =	swait.ge [sflag:s11], $0x4000  }
0x7c: {  	[sflag:s11] =	ssyncset.done $0x0  }
0x7d: {  	[sflag:s11] =	ssyncadd.s32 $0xFFFFC000  }
0x7e: {  	[spmem:s2] =	stream.indirect.scatter.add.f32 [tilespmem:s28], [sflag:$0x3], $0x80, s31, s8, $0xb8;
	[tilespmem:$0x1C700] =	vst v63  }
0x7f: {  	_ =	swait.ge [sflag:s29], $0x4000  }
0x80: {  	[sflag:s29] =	ssyncset.done $0x0  }
0x81: {  	[sflag:s29] =	ssyncadd.s32 $0xFFFFC000  }
0x82: {  	_ =	swait.ge [sflag:s12], $0x4000  }
.Ltmp1:
0x83: {  	[sflag:s12] =	ssyncset.done $0x0;
	(pc) =	sbr.rel @p0 .LBB2_4-.Ltmp1, $4  }
0x84: {  	[sflag:s12] =	ssyncadd.s32 $0xFFFFC000  }
0x85: {  	[spmem:s2] =	stream.indirect.scatter.add.f32 [tilespmem:s10], [sflag:$0x3], $0x80, s3, s8, $0xb8;
	[tilespmem:$0x1C700] =	vst v63  }
0x86: {  	_ =	swait.ge [sflag:s29], $0x4000  }
0x87: {  	s19 =	smov.u32 s25;
	[sflag:s29] =	ssyncset.done $0x0  }
0x88: {  	s13 =	sadd.s32 s18, s21;
	[sflag:s29] =	ssyncadd.s32 $0xFFFFC000  }
0x89: {  	[tilespmem:s30], [sflag:$0x3] =	stream.linear.gather [hbm4b:s13+s4], $0x80, $0x38;
	[tilespmem:$0x1C700] =	vst v63  }
0x8a: {  	_ =	swait.ge [sflag:s29], $0x80  }
0x8b: {  	[sflag:s29] =	ssyncset.done $0x0  }
0x8c: {  	s25 =	sadd.s32 s18, s20;
	[sflag:s29] =	ssyncadd.s32 $0xFFFFFF80  }
0x8d: {  	[tilespmem:s31], [sflag:$0x3] =	stream.linear.gather [hbm4b:s25+s4], $0x80, $0x38;
	[tilespmem:$0x1C700] =	vst v63  }
0x8e: {  	_ =	swait.ge [sflag:s29], $0x80  }
0x8f: {  	[sflag:s29] =	ssyncset.done $0x0  }
0x90: {  	s16 =	sadd.s32 s18, s23;
	[sflag:s29] =	ssyncadd.s32 $0xFFFFFF80  }
0x91: {  	[tilespmem:s0], [sflag:$0x3] =	stream.linear.gather [hbm4b:s16+s4], $0x80, $0x38;
	[tilespmem:$0x1C700] =	vst v63  }
0x92: {  	_ =	swait.ge [sflag:s29], $0x80  }
0x93: {  	[sflag:s29] =	ssyncset.done $0x0  }
0x94: {  	s18 =	sadd.s32 s18, s22;
	[sflag:s29] =	ssyncadd.s32 $0xFFFFFF80  }
0x95: {  	[tilespmem:s3], [sflag:$0x3] =	stream.linear.gather [hbm4b:s18+s4], $0x80, $0x38;
	[tilespmem:$0x1C700] =	vst v63  }
0x96: {  	_ =	swait.ge [sflag:s29], $0x80  }
0x97: {  	[sflag:s29] =	ssyncset.done $0x0  }
0x98: {  	[sflag:s29] =	ssyncadd.s32 $0xFFFFFF80  }
0x99: {  	[tilespmem:s28], [sflag:$0x1] =	stream.indirect.gather [hbm4b:s1+s8], $0x80, s30, s8, $0xb8;
	[tilespmem:$0x1C700] =	vst v63  }
0x9a: {  	_ = 	snop  }
0x9b: {  	[tilespmem:s10], [sflag:$0x2] =	stream.indirect.gather [hbm4b:s1+s8], $0x80, s0, s8, $0xb8;
	[tilespmem:$0x1C700] =	vst v63  }
0x9c: {  	_ =	swait.ge [sflag:s11], $0x4000  }
0x9d: {  	[sflag:s11] =	ssyncset.done $0x0  }
0x9e: {  	[sflag:s11] =	ssyncadd.s32 $0xFFFFC000  }
0x9f: {  	[spmem:s2] =	stream.indirect.scatter.add.f32 [tilespmem:s28], [sflag:$0x3], $0x80, s31, s8, $0xb8;
	[tilespmem:$0x1C700] =	vst v63  }
0xa0: {  	_ =	swait.ge [sflag:s29], $0x4000  }
0xa1: {  	[sflag:s29] =	ssyncset.done $0x0  }
0xa2: {  	[sflag:s29] =	ssyncadd.s32 $0xFFFFC000  }
0xa3: {  	_ =	swait.ge [sflag:s12], $0x4000  }
0xa4: {  	[sflag:s12] =	ssyncset.done $0x0  }
0xa5: {  	[sflag:s12] =	ssyncadd.s32 $0xFFFFC000  }
0xa6: {  	[spmem:s2] =	stream.indirect.scatter.add.f32 [tilespmem:s10], [sflag:$0x3], $0x80, s3, s8, $0xb8;
	[tilespmem:$0x1C700] =	vst v63  }
0xa7: {  	_ =	swait.ge [sflag:s29], $0x4000  }
0xa8: {  	s19 =	simm.s32 $0x1BE00;
	[sflag:s29] =	ssyncset.done $0x0  }
0xa9: {  	s13 =	simm.s32 $0x0;
	s16 =	rddreg [dreg:$0x7];
	[sflag:s29] =	ssyncadd.s32 $0xFFFFC000  }
0xaa: {  	[tilespmem:s19], [sflag:$0x3] =	stream.linear.gather [hbm4b:s16+s13], $0x10, $0x38;
	[tilespmem:$0x1C700] =	vst v63  }
0xab: {  	_ =	swait.ge [sflag:s29], $0x10  }
0xac: {  	[sflag:s29] =	ssyncset.done $0x0  }
0xad: {  	[sflag:s29] =	ssyncadd.s32 $0xFFFFFFF0  }
0xae: {  	[tilespmem:s14], [sflag:$0x3] =	stream.linear.gather [hbm4b:s9+s13], $0x10, $0x38;
	[tilespmem:$0x1C700] =	vst v63  }
0xaf: {  	_ =	swait.ge [sflag:s29], $0x10  }
0xb0: {  	[sflag:s29] =	ssyncset.done $0x0  }
0xb1: {  	s25 =	simm.s32 $0x1BF00;
	[sflag:s29] =	ssyncadd.s32 $0xFFFFFFF0  }
0xb2: {  	[tilespmem:s25], [sflag:$0x1] =	stream.indirect.gather [hbm4b:s1+s15], $0x80, s19, s15, $0xb8;
	[tilespmem:$0x1C700] =	vst v63  }
0xb3: {  	_ =	swait.ge [sflag:s11], $0x800  }
0xb4: {  	[sflag:s11] =	ssyncset.done $0x0  }
0xb5: {  	[sflag:s11] =	ssyncadd.s32 $0xFFFFF800  }
0xb6: {  	[spmem:s2] =	stream.indirect.scatter.add.f32 [tilespmem:s25], [sflag:$0x3], $0x80, s14, s15, $0xb8;
	[tilespmem:$0x1C700] =	vst v63  }
0xb7: {  	_ =	swait.ge [sflag:s29], $0x800  }
0xb8: {  	[sflag:s29] =	ssyncset.done $0x0  }
0xb9: {  	[sflag:s29] =	ssyncadd.s32 $0xFFFFF800  }
0xba: {  	[bflag:$0x0] =	sbarrier.arrive $0xFFFF  }
0xbb: {  	[tilespmem:s28], [sflag:$0x3] =	stream.linear.gather [spmem:s5], $0x4000, $0x38;
	[tilespmem:$0x1C700] =	vst v63  }
0xbc: {  	_ =	swait.ge [sflag:s29], $0x4000  }
0xbd: {  	[sflag:s29] =	ssyncset.done $0x0  }
0xbe: {  	s19 =	rddreg [dreg:$0x8];
	[sflag:s29] =	ssyncadd.s32 $0xFFFFC000  }
0xbf: {  	[hbm4b:s19+s13] =	stream.linear.scatter [tilespmem:s28], [sflag:$0x3], $0x4000, $0x38;
	[tilespmem:$0x1C700] =	vst v63  }
0xc0: {  	_ =	swait.ge [sflag:s29], $0x4000  }
0xc1: {  	[sflag:s29] =	ssyncset.done $0x0  }
0xc2: {  	[sflag:s29] =	ssyncadd.s32 $0xFFFFC000  }
0xc3: {  	[tilespmem:s28], [sflag:$0x3] =	stream.linear.gather [spmem:s6], $0x4000, $0x38;
	[tilespmem:$0x1C700] =	vst v63  }
0xc4: {  	_ =	swait.ge [sflag:s29], $0x4000  }
0xc5: {  	[sflag:s29] =	ssyncset.done $0x0  }
0xc6: {  	s25 =	rddreg [dreg:$0x9];
	[sflag:s29] =	ssyncadd.s32 $0xFFFFC000  }
0xc7: {  	[hbm4b:s25+s13] =	stream.linear.scatter [tilespmem:s28], [sflag:$0x3], $0x4000, $0x38;
	[tilespmem:$0x1C700] =	vst v63  }
0xc8: {  	_ =	swait.ge [sflag:s29], $0x4000  }
0xc9: {  	[sflag:s29] =	ssyncset.done $0x0  }
0xca: {  	[sflag:s29] =	ssyncadd.s32 $0xFFFFC000  }
0xcb: {  	[tilespmem:s28], [sflag:$0x3] =	stream.linear.gather [spmem:s7], $0x4000, $0x38;
	[tilespmem:$0x1C700] =	vst v63  }
0xcc: {  	_ =	swait.ge [sflag:s29], $0x4000  }
0xcd: {  	[sflag:s29] =	ssyncset.done $0x0  }
0xce: {  	s18 =	rddreg [dreg:$0xa];
	[sflag:s29] =	ssyncadd.s32 $0xFFFFC000  }
0xcf: {  	[hbm4b:s18+s13] =	stream.linear.scatter [tilespmem:s28], [sflag:$0x3], $0x4000, $0x38;
	[tilespmem:$0x1C700] =	vst v63  }
0xd0: {  	_ =	swait.ge [sflag:s29], $0x4000  }
0xd1: {  	[sflag:s29] =	ssyncset.done $0x0  }
0xd2: {  	[sflag:s29] =	ssyncadd.s32 $0xFFFFC000  }
0xd3: {  	[tilespmem:s28], [sflag:$0x3] =	stream.linear.gather [spmem:s24], $0x4000, $0x38;
	[tilespmem:$0x1C700] =	vst v63  }
0xd4: {  	_ =	swait.ge [sflag:s29], $0x4000  }
0xd5: {  	[sflag:s29] =	ssyncset.done $0x0  }
0xd6: {  	s19 =	rddreg [dreg:$0xb];
	[sflag:s29] =	ssyncadd.s32 $0xFFFFC000  }
0xd7: {  	[hbm4b:s19+s13] =	stream.linear.scatter [tilespmem:s28], [sflag:$0x3], $0x4000, $0x38;
	[tilespmem:$0x1C700] =	vst v63  }
0xd8: {  	_ =	swait.ge [sflag:s29], $0x4000  }
0xd9: {  	[sflag:s29] =	ssyncset.done $0x0  }
0xda: {  	[sflag:s29] =	ssyncadd.s32 $0xFFFFC000  }
0xdb: {  	[tilespmem:s28], [sflag:$0x3] =	stream.linear.gather [spmem:s26], $0x3C00, $0x38;
	[tilespmem:$0x1C700] =	vst v63  }
0xdc: {  	_ =	swait.ge [sflag:s29], $0x3C00  }
0xdd: {  	[sflag:s29] =	ssyncset.done $0x0  }
0xde: {  	s25 =	rddreg [dreg:$0xc];
	[sflag:s29] =	ssyncadd.s32 $0xFFFFC400  }
0xdf: {  	[hbm4b:s25+s13] =	stream.linear.scatter [tilespmem:s28], [sflag:$0x3], $0x3C00, $0x38;
	[tilespmem:$0x1C700] =	vst v63  }
0xe0: {  	_ =	swait.ge [sflag:s29], $0x3C00  }
0xe1: {  	[sflag:s29] =	ssyncset.done $0x0  }
0xe2: {  	s18 =	simm.s32 $0x0;
	s19 =	simm.s32 $0x200;
	[sflag:s29] =	ssyncadd.s32 $0xFFFFC400  }
.LBB2_6:
0xe3: {  	p0 =	sne.s32 s19, $0xFE00;
	[tilespmem:s18+$0x13E70] =	vst v0  }
0xe4: {  	[tilespmem:s18+$0x13E00] =	vst v0  }
0xe5: {  	[tilespmem:s18+$0x13E10] =	vst v0  }
.Ltmp2:
0xe6: {  	[tilespmem:s18+$0x13E20] =	vst v0;
	(pc) =	sbr.rel @p0 .LBB2_6-.Ltmp2, $4  }
0xe7: {  	[tilespmem:s18+$0x13E30] =	vst v0  }
0xe8: {  	[tilespmem:s18+$0x13E40] =	vst v0  }
0xe9: {  	[tilespmem:s18+$0x13E50] =	vst v0  }
0xea: {  	[tilespmem:s18+$0x13E60] =	vst v0;
	s18 =	sshra.s32 s19, $0x2;
	s19 =	sadd.s32 $0x200, s19  }
0xeb: {  	[tilespmem:s18+$0x13E70] =	vst v0  }
0xec: {  	[tilespmem:s18+$0x13E00] =	vst v0  }
0xed: {  	[tilespmem:s18+$0x13E10] =	vst v0  }
0xee: {  	[tilespmem:s18+$0x13E20] =	vst v0  }
0xef: {  	[tilespmem:s18+$0x13E30] =	vst v0  }
0xf0: {  	[tilespmem:s18+$0x13E40] =	vst v0  }
0xf1: {  	[tilespmem:s18+$0x13E50] =	vst v0  }
0xf2: {  	[tilespmem:s18+$0x13E60] =	vst v0  }
0xf3: {  	[spmem:s5] =	stream.linear.scatter [tilespmem:s28], [sflag:$0x3], $0x4000, $0x38;
	[tilespmem:$0x1C700] =	vst v63  }
0xf4: {  	_ =	swait.ge [sflag:s29], $0x4000  }
0xf5: {  	[sflag:s29] =	ssyncset.done $0x0  }
0xf6: {  	[sflag:s29] =	ssyncadd.s32 $0xFFFFC000  }
0xf7: {  	[spmem:s6] =	stream.linear.scatter [tilespmem:s28], [sflag:$0x3], $0x4000, $0x38;
	[tilespmem:$0x1C700] =	vst v63  }
0xf8: {  	_ =	swait.ge [sflag:s29], $0x4000  }
0xf9: {  	[sflag:s29] =	ssyncset.done $0x0  }
0xfa: {  	[sflag:s29] =	ssyncadd.s32 $0xFFFFC000  }
0xfb: {  	[spmem:s7] =	stream.linear.scatter [tilespmem:s28], [sflag:$0x3], $0x4000, $0x38;
	[tilespmem:$0x1C700] =	vst v63  }
0xfc: {  	_ =	swait.ge [sflag:s29], $0x4000  }
0xfd: {  	[sflag:s29] =	ssyncset.done $0x0  }
0xfe: {  	[sflag:s29] =	ssyncadd.s32 $0xFFFFC000  }
0xff: {  	[spmem:s24] =	stream.linear.scatter [tilespmem:s28], [sflag:$0x3], $0x4000, $0x38;
	[tilespmem:$0x1C700] =	vst v63  }
0x100: {  	_ =	swait.ge [sflag:s29], $0x4000  }
0x101: {  	[sflag:s29] =	ssyncset.done $0x0  }
0x102: {  	[sflag:s29] =	ssyncadd.s32 $0xFFFFC000  }
0x103: {  	[spmem:s26] =	stream.linear.scatter [tilespmem:s28], [sflag:$0x3], $0x3C00, $0x38;
	[tilespmem:$0x1C700] =	vst v63  }
0x104: {  	_ =	swait.ge [sflag:s29], $0x3C00  }
0x105: {  	[sflag:s29] =	ssyncset.done $0x0  }
0x106: {  	[sflag:s29] =	ssyncadd.s32 $0xFFFFC400  }
0x107: {  	s18 =	simm.s32 $0x0;
	s19 =	simm.s32 $0x200;
	[bflag:$0x0] =	sbarrier.arrive $0xFFFF  }
.LBB2_8:
0x108: {  	p0 =	sne.s32 s19, $0xFE00;
	[tilespmem:s18+$0x17E70] =	vst v1  }
0x109: {  	[tilespmem:s18+$0x13E00] =	vst v1  }
0x10a: {  	[tilespmem:s18+$0x17E00] =	vst v1  }
0x10b: {  	[tilespmem:s18+$0x13E10] =	vst v1  }
0x10c: {  	[tilespmem:s18+$0x17E10] =	vst v1  }
0x10d: {  	[tilespmem:s18+$0x13E20] =	vst v1  }
0x10e: {  	[tilespmem:s18+$0x17E20] =	vst v1  }
0x10f: {  	[tilespmem:s18+$0x13E30] =	vst v1  }
0x110: {  	[tilespmem:s18+$0x17E30] =	vst v1  }
0x111: {  	[tilespmem:s18+$0x13E40] =	vst v1  }
0x112: {  	[tilespmem:s18+$0x17E40] =	vst v1  }
.Ltmp3:
0x113: {  	[tilespmem:s18+$0x13E50] =	vst v1;
	(pc) =	sbr.rel @p0 .LBB2_8-.Ltmp3, $4  }
0x114: {  	[tilespmem:s18+$0x17E50] =	vst v1  }
0x115: {  	[tilespmem:s18+$0x13E60] =	vst v1  }
0x116: {  	[tilespmem:s18+$0x17E60] =	vst v1  }
0x117: {  	[tilespmem:s18+$0x13E70] =	vst v1;
	s18 =	sshra.s32 s19, $0x2;
	s19 =	sadd.s32 $0x200, s19  }
0x118: {  	[tilespmem:s18+$0x17E70] =	vst v1  }
0x119: {  	[tilespmem:s18+$0x13E00] =	vst v1  }
0x11a: {  	[tilespmem:s18+$0x17E00] =	vst v1  }
0x11b: {  	[tilespmem:s18+$0x13E10] =	vst v1  }
0x11c: {  	[tilespmem:s18+$0x17E10] =	vst v1  }
0x11d: {  	[tilespmem:s18+$0x13E20] =	vst v1  }
0x11e: {  	[tilespmem:s18+$0x17E20] =	vst v1  }
0x11f: {  	[tilespmem:s18+$0x13E30] =	vst v1  }
0x120: {  	[tilespmem:s18+$0x17E30] =	vst v1  }
0x121: {  	[tilespmem:s18+$0x13E40] =	vst v1  }
0x122: {  	[tilespmem:s18+$0x17E40] =	vst v1  }
0x123: {  	[tilespmem:s18+$0x13E50] =	vst v1  }
0x124: {  	[tilespmem:s18+$0x17E50] =	vst v1  }
0x125: {  	[tilespmem:s18+$0x13E60] =	vst v1  }
0x126: {  	[tilespmem:s18+$0x17E60] =	vst v1  }
0x127: {  	[tilespmem:s18+$0x13E70] =	vst v1;
	s13 =	sadd.s32 $0x0, s20  }
0x128: {  	[tilespmem:s31], [sflag:$0x3] =	stream.linear.gather [hbm4b:s13+s4], $0x80, $0x38;
	[tilespmem:$0x1C700] =	vst v63  }
0x129: {  	_ =	swait.ge [sflag:s29], $0x80  }
0x12a: {  	[sflag:s29] =	ssyncset.done $0x0  }
0x12b: {  	s25 =	sadd.s32 $0x0, s22;
	[sflag:s29] =	ssyncadd.s32 $0xFFFFFF80  }
0x12c: {  	[tilespmem:s3], [sflag:$0x3] =	stream.linear.gather [hbm4b:s25+s4], $0x80, $0x38;
	[tilespmem:$0x1C700] =	vst v63  }
0x12d: {  	_ =	swait.ge [sflag:s29], $0x80  }
0x12e: {  	[sflag:s29] =	ssyncset.done $0x0  }
0x12f: {  	[sflag:s29] =	ssyncadd.s32 $0xFFFFFF80  }
0x130: {  	[spmem:s2] =	stream.indirect.scatter.add.f32 [tilespmem:s28], [sflag:$0x1], $0x80, s31, s8, $0xb8;
	[tilespmem:$0x1C700] =	vst v63  }
0x131: {  	_ = 	snop  }
0x132: {  	[spmem:s2] =	stream.indirect.scatter.add.f32 [tilespmem:s10], [sflag:$0x2], $0x80, s3, s8, $0xb8;
	[tilespmem:$0x1C700] =	vst v63  }
0x133: {  	_ =	swait.ge [sflag:s11], $0x4000  }
0x134: {  	[sflag:s11] =	ssyncset.done $0x0  }
0x135: {  	[sflag:s11] =	ssyncadd.s32 $0xFFFFC000  }
0x136: {  	_ =	swait.ge [sflag:s12], $0x4000  }
0x137: {  	s18 =	simm.s32 $0x20;
	s19 =	simm.s32 $0x40;
	[sflag:s12] =	ssyncset.done $0x0  }
.LBB2_10:
0x138: {  	s13 =	sadd.s32 s18, s20  }
0x139: {  	[sflag:s12] =	ssyncadd.s32 $0xFFFFC000;
	s16 =	smov.u32 s19;
	s25 =	sadd.s32 $0x20, s19  }
0x13a: {  	[tilespmem:s31], [sflag:$0x3] =	stream.linear.gather [hbm4b:s13+s4], $0x80, $0x38;
	[tilespmem:$0x1C700] =	vst v63  }
0x13b: {  	p0 =	sne.s32 s19, $0x4C0;
	_ =	swait.ge [sflag:s29], $0x80  }
0x13c: {  	[sflag:s29] =	ssyncset.done $0x0  }
0x13d: {  	s13 =	sadd.s32 s18, s22;
	s18 =	smov.u32 s16;
	[sflag:s29] =	ssyncadd.s32 $0xFFFFFF80  }
0x13e: {  	[tilespmem:s3], [sflag:$0x3] =	stream.linear.gather [hbm4b:s13+s4], $0x80, $0x38;
	[tilespmem:$0x1C700] =	vst v63  }
0x13f: {  	_ =	swait.ge [sflag:s29], $0x80  }
0x140: {  	[sflag:s29] =	ssyncset.done $0x0  }
0x141: {  	[sflag:s29] =	ssyncadd.s32 $0xFFFFFF80  }
0x142: {  	[spmem:s2] =	stream.indirect.scatter.add.f32 [tilespmem:s28], [sflag:$0x1], $0x80, s31, s8, $0xb8;
	[tilespmem:$0x1C700] =	vst v63  }
0x143: {  	_ = 	snop  }
0x144: {  	[spmem:s2] =	stream.indirect.scatter.add.f32 [tilespmem:s10], [sflag:$0x2], $0x80, s3, s8, $0xb8;
	[tilespmem:$0x1C700] =	vst v63  }
.Ltmp4:
0x145: {  	_ =	swait.ge [sflag:s11], $0x4000;
	(pc) =	sbr.rel @p0 .LBB2_10-.Ltmp4, $4  }
0x146: {  	[sflag:s11] =	ssyncset.done $0x0  }
0x147: {  	[sflag:s11] =	ssyncadd.s32 $0xFFFFC000  }
0x148: {  	_ =	swait.ge [sflag:s12], $0x4000  }
0x149: {  	s19 =	smov.u32 s25;
	[sflag:s12] =	ssyncset.done $0x0  }
0x14a: {  	s13 =	sadd.s32 s18, s20;
	[sflag:s12] =	ssyncadd.s32 $0xFFFFC000  }
0x14b: {  	[tilespmem:s31], [sflag:$0x3] =	stream.linear.gather [hbm4b:s13+s4], $0x80, $0x38;
	[tilespmem:$0x1C700] =	vst v63  }
0x14c: {  	_ =	swait.ge [sflag:s29], $0x80  }
0x14d: {  	[sflag:s29] =	ssyncset.done $0x0  }
0x14e: {  	s18 =	sadd.s32 s18, s22;
	[sflag:s29] =	ssyncadd.s32 $0xFFFFFF80  }
0x14f: {  	[tilespmem:s3], [sflag:$0x3] =	stream.linear.gather [hbm4b:s18+s4], $0x80, $0x38;
	[tilespmem:$0x1C700] =	vst v63  }
0x150: {  	_ =	swait.ge [sflag:s29], $0x80  }
0x151: {  	[sflag:s29] =	ssyncset.done $0x0  }
0x152: {  	[sflag:s29] =	ssyncadd.s32 $0xFFFFFF80  }
0x153: {  	[spmem:s2] =	stream.indirect.scatter.add.f32 [tilespmem:s28], [sflag:$0x1], $0x80, s31, s8, $0xb8;
	[tilespmem:$0x1C700] =	vst v63  }
0x154: {  	_ = 	snop  }
0x155: {  	[spmem:s2] =	stream.indirect.scatter.add.f32 [tilespmem:s10], [sflag:$0x2], $0x80, s3, s8, $0xb8;
	[tilespmem:$0x1C700] =	vst v63  }
0x156: {  	_ =	swait.ge [sflag:s11], $0x4000  }
0x157: {  	[sflag:s11] =	ssyncset.done $0x0  }
0x158: {  	[sflag:s11] =	ssyncadd.s32 $0xFFFFC000  }
0x159: {  	_ =	swait.ge [sflag:s12], $0x4000  }
0x15a: {  	[sflag:s12] =	ssyncset.done $0x0  }
0x15b: {  	[sflag:s12] =	ssyncadd.s32 $0xFFFFC000  }
0x15c: {  	[tilespmem:s14], [sflag:$0x3] =	stream.linear.gather [hbm4b:s9+s4], $0x10, $0x38;
	[tilespmem:$0x1C700] =	vst v63  }
0x15d: {  	_ =	swait.ge [sflag:s29], $0x10  }
0x15e: {  	[sflag:s29] =	ssyncset.done $0x0  }
0x15f: {  	[sflag:s29] =	ssyncadd.s32 $0xFFFFFFF0  }
0x160: {  	[spmem:s2] =	stream.indirect.scatter.add.f32 [tilespmem:s28], [sflag:$0x3], $0x80, s14, s15, $0xb8;
	[tilespmem:$0x1C700] =	vst v63  }
0x161: {  	_ =	swait.ge [sflag:s29], $0x800  }
0x162: {  	[sflag:s29] =	ssyncset.done $0x0  }
0x163: {  	[sflag:s29] =	ssyncadd.s32 $0xFFFFF800  }
0x164: {  	[bflag:$0x0] =	sbarrier.arrive $0xFFFF  }
0x165: {  	[tilespmem:s28], [sflag:$0x3] =	stream.linear.gather [spmem:s5], $0x4000, $0x38;
	[tilespmem:$0x1C700] =	vst v63  }
0x166: {  	_ =	swait.ge [sflag:s29], $0x4000  }
0x167: {  	[sflag:s29] =	ssyncset.done $0x0  }
0x168: {  	s19 =	rddreg [dreg:$0xd];
	[sflag:s29] =	ssyncadd.s32 $0xFFFFC000  }
0x169: {  	[hbm4b:s19+s4] =	stream.linear.scatter [tilespmem:s28], [sflag:$0x3], $0x4000, $0x38;
	[tilespmem:$0x1C700] =	vst v63  }
0x16a: {  	_ =	swait.ge [sflag:s29], $0x4000  }
0x16b: {  	[sflag:s29] =	ssyncset.done $0x0  }
0x16c: {  	[sflag:s29] =	ssyncadd.s32 $0xFFFFC000  }
0x16d: {  	[tilespmem:s28], [sflag:$0x3] =	stream.linear.gather [spmem:s6], $0x4000, $0x38;
	[tilespmem:$0x1C700] =	vst v63  }
0x16e: {  	_ =	swait.ge [sflag:s29], $0x4000  }
0x16f: {  	[sflag:s29] =	ssyncset.done $0x0  }
0x170: {  	s25 =	rddreg [dreg:$0xe];
	[sflag:s29] =	ssyncadd.s32 $0xFFFFC000  }
0x171: {  	[hbm4b:s25+s4] =	stream.linear.scatter [tilespmem:s28], [sflag:$0x3], $0x4000, $0x38;
	[tilespmem:$0x1C700] =	vst v63  }
0x172: {  	_ =	swait.ge [sflag:s29], $0x4000  }
0x173: {  	[sflag:s29] =	ssyncset.done $0x0  }
0x174: {  	[sflag:s29] =	ssyncadd.s32 $0xFFFFC000  }
0x175: {  	[tilespmem:s28], [sflag:$0x3] =	stream.linear.gather [spmem:s7], $0x4000, $0x38;
	[tilespmem:$0x1C700] =	vst v63  }
0x176: {  	_ =	swait.ge [sflag:s29], $0x4000  }
0x177: {  	[sflag:s29] =	ssyncset.done $0x0  }
0x178: {  	s16 =	rddreg [dreg:$0xf];
	[sflag:s29] =	ssyncadd.s32 $0xFFFFC000  }
0x179: {  	[hbm4b:s16+s4] =	stream.linear.scatter [tilespmem:s28], [sflag:$0x3], $0x4000, $0x38;
	[tilespmem:$0x1C700] =	vst v63  }
0x17a: {  	_ =	swait.ge [sflag:s29], $0x4000  }
0x17b: {  	[sflag:s29] =	ssyncset.done $0x0  }
0x17c: {  	[sflag:s29] =	ssyncadd.s32 $0xFFFFC000  }
0x17d: {  	[tilespmem:s28], [sflag:$0x3] =	stream.linear.gather [spmem:s24], $0x4000, $0x38;
	[tilespmem:$0x1C700] =	vst v63  }
0x17e: {  	_ =	swait.ge [sflag:s29], $0x4000  }
0x17f: {  	[sflag:s29] =	ssyncset.done $0x0  }
0x180: {  	s18 =	rddreg [dreg:$0x10];
	[sflag:s29] =	ssyncadd.s32 $0xFFFFC000  }
0x181: {  	[hbm4b:s18+s4] =	stream.linear.scatter [tilespmem:s28], [sflag:$0x3], $0x4000, $0x38;
	[tilespmem:$0x1C700] =	vst v63  }
0x182: {  	_ =	swait.ge [sflag:s29], $0x4000  }
0x183: {  	[sflag:s29] =	ssyncset.done $0x0  }
0x184: {  	[sflag:s29] =	ssyncadd.s32 $0xFFFFC000  }
0x185: {  	[tilespmem:s28], [sflag:$0x3] =	stream.linear.gather [spmem:s26], $0x3C00, $0x38;
	[tilespmem:$0x1C700] =	vst v63  }
0x186: {  	_ =	swait.ge [sflag:s29], $0x3C00  }
0x187: {  	[sflag:s29] =	ssyncset.done $0x0  }
0x188: {  	s19 =	rddreg [dreg:$0x11];
	[sflag:s29] =	ssyncadd.s32 $0xFFFFC400  }
0x189: {  	[hbm4b:s19+s4] =	stream.linear.scatter [tilespmem:s28], [sflag:$0x3], $0x3C00, $0x38;
	[tilespmem:$0x1C700] =	vst v63  }
0x18a: {  	_ =	swait.ge [sflag:s29], $0x3C00  }
0x18b: {  	s17 =	sadd.s32 $0x1, s17;
	s25 =	rddreg [dreg:$0x12]  }
0x18c: {  	p0 =	sne.s32 s17, s25  }
.Ltmp5:
0x18d: {  	_ = 	snop;
	(pc) =	sbr.rel @p0 .LBB2_1-.Ltmp5, $3  }
0x18e: {  	_ =	sdelay $0x1  }
0x18f: {  	[sflag:s29] =	ssyncset.done $0x0  }
0x190: {  	[sflag:s29] =	ssyncadd.s32 $0xFFFFC400  }
0x191: {  	_ =	sfence.sel $0x180000  }
0x192: {  	[bflag:$0x0] =	sbarrier.arrive $0xFFFF  }
0x193: {  	_ =	strace $0x90000047  }
0x194: {  	s0 =	stileid.u32;
	[bflag:$0x2] =	sbarrier.arrive $0xFFFF  }
0x195: {  	p0 =	sne.s32 s0, $0x0;
	s0 =	rddreg [dreg:$0x6]  }
0x196: {  	s0 =	sadd.s32 @!p0 $0x100000, s0  }
0x197: {  	[sflag:s0] =	ssyncadd.tile.s32 @!p0 $0x1;
	_ =	shalt  }
.Lfunc_end2:
_tile_overlayer_lowered:
.L_overlay_start_2:
0x198: {  	(tag) =	ssettag $0x2  }
0x199: {  	s0 =	rddreg [dreg:$0x0];
	s2 =	stileid.u32  }
0x19a: {  	s1 =	rddreg [dreg:$0x1];
	p0 =	sne.s32 s2, $0x0  }
0x19b: {  	s3 =	rddreg [dreg:$0x2];
	[bflag:$0x3] =	sbarrier.arrive $0xFFFF;
	s2 =	simm.s32 @!p0 $0x1C03  }
0x19c: {  	[timem:s3], [sflag:s2] =	dma.local @!p0 [hbm:s0], s1  }
0x19d: {  	s0 =	simm.s32 @!p0 $0x3  }
0x19e: {  	_ =	swait.ge @!p0 [sflag:s0], s1  }
0x19f: {  	s1 =	ssub.s32 @!p0 $0x0, s1;
	[sflag:s0] =	ssyncset.done @!p0 $0x0  }
0x1a0: {  	[sflag:s0] =	ssyncadd.s32 @!p0 s1  }
0x1a1: {  	[bflag:$0x3] =	sbarrier.arrive $0xFFFF  }
0x1a2: {  	_ =	shalt  }

</sc_bundles>
